<compile_context>
chip_gen: v7x
topology: tpu7x:2x2x1
jax: 0.10.2.dev20260603
libtpu: 0.0.44.dev20260713+nightly
codegen_flags: <defaults>
</compile_context>

<pallas_src>
import functools

import jax
import jax.numpy as jnp
from jax import lax
from jax.experimental import pallas as pl
from jax.experimental.pallas import tpu as pltpu
from jax.experimental.pallas import tpu_sc as plsc

_NC, _NS, _VEC = 2, 16, 16
_NW = _NC * _NS
_CH = 128
_SCH = 2 * _CH


def _comb_body(pos_ref, tab_ref, out_ref):
    out_ref[0] = pos_ref[...] + tab_ref[0, :][None, :]
    out_ref[1] = pos_ref[...] + tab_ref[1, :][None, :]


def _build_comb(pos, mask_table, t, c):
    return pl.pallas_call(
        _comb_body,
        in_specs=[
            pl.BlockSpec((t, c), lambda: (0, 0)),
            pl.BlockSpec((2, c), lambda: (0, 0)),
        ],
        out_specs=pl.BlockSpec((2, t, c), lambda: (0, 0, 0)),
        out_shape=jax.ShapeDtypeStruct((2, t, c), jnp.float32),
    )(pos, mask_table)


def _make_sc_gather(tok, t, c):
    per_w = tok // _NW
    nch = per_w // _CH
    nsc = per_w // _SCH
    mesh = plsc.VectorSubcoreMesh(
        core_axis_name="c", subcore_axis_name="s",
        num_cores=_NC, num_subcores=_NS,
    )

    @functools.partial(
        pl.kernel,
        out_type=jax.ShapeDtypeStruct((tok, c), jnp.float32),
        mesh=mesh,
        scratch_types=[
            pltpu.VMEM_SHARED((2 * t, c), jnp.float32),
            pltpu.VMEM((per_w,), jnp.int32),
            pltpu.VMEM((nch, _CH), jnp.int32),
            pltpu.VMEM((2, _SCH, c), jnp.float32),
            pltpu.SemaphoreType.DMA,
            pltpu.SemaphoreType.DMA,
        ],
    )
    def sc_gather(comb_hbm, mask_hbm, out_hbm,
                  comb_sh, mask_v, idx_v, bufs, sem0, sem1):
        sid = lax.axis_index("s")
        wid = sid * _NC + lax.axis_index("c")
        base = wid * per_w

        @pl.when(sid == 0)
        def _():
            pltpu.sync_copy(comb_hbm, comb_sh)

        pltpu.sync_copy(mask_hbm.at[pl.ds(base, per_w)], mask_v)

        lanes = lax.iota(jnp.int32, _VEC)

        def idx_row(j, _):
            def idx_vec(v, _):
                p = j * _CH + v * _VEC
                m = mask_v[pl.ds(p, _VEC)]
                tpos = lax.rem(base + p + lanes, t)
                idx_v[j, pl.ds(v * _VEC, _VEC)] = m * t + tpos
                return 0
            return lax.fori_loop(0, _CH // _VEC, idx_vec, 0)

        lax.fori_loop(0, 4, idx_row, 0)
        plsc.subcore_barrier()

        b0 = bufs.at[0]
        b1 = bufs.at[1]

        def fire(s, buf, sem):
            pltpu.async_copy(comb_sh.at[idx_v.at[2 * s]],
                             buf.at[pl.ds(0, _CH)], sem)
            pltpu.async_copy(comb_sh.at[idx_v.at[2 * s + 1]],
                             buf.at[pl.ds(_CH, _CH)], sem)

        def drain(buf, sem):
            pltpu.make_async_copy(out_hbm.at[pl.ds(0, _SCH)], buf, sem).wait()

        def scatter(s, buf):
            pltpu.sync_copy(buf, out_hbm.at[pl.ds(base + s * _SCH, _SCH)])

        fire(0, b0, sem0)
        fire(1, b1, sem1)

        lax.fori_loop(4, nch, idx_row, 0)

        def pair(g, _):
            s0 = 2 * g
            s1 = s0 + 1
            drain(b0, sem0)
            scatter(s0, b0)

            @pl.when(s0 + 2 < nsc)
            def _():
                fire(s0 + 2, b0, sem0)

            drain(b1, sem1)
            scatter(s1, b1)

            @pl.when(s1 + 2 < nsc)
            def _():
                fire(s1 + 2, b1, sem1)
            return 0

        lax.fori_loop(0, nsc // 2, pair, 0)

        drain(b0, sem0)
        scatter(nsc - 1, b0)

    return sc_gather


def kernel(x, mask, pos_emb, mask_table):
    b, t, c = x.shape
    tok = b * t
    pos = pos_emb[0, :t, :]
    m_flat = mask.astype(jnp.int32).reshape(tok)
    comb = _build_comb(pos, mask_table, t, c).reshape(2 * t, c)
    out = _make_sc_gather(tok, t, c)(comb, m_flat)
    return out.reshape(b, t, c)

# --- scband reference (transcript-rebuilt; emitter-appended) ---
"""Pipeline reference for scband-alpe-38800734552804 (READ-ONLY COPY).

The authoritative reference and input builder live on the scoring server;
editing this copy changes nothing except your own understanding.
"""

import jax, jax.numpy as jnp
import numpy as np

B, T, C = 1024, 200, 128
MAX_LEN = 200

def setup_inputs(seed: int = 0) -> dict:
    key = jax.random.key(seed)
    k1, k2, k3 = jax.random.split(key, 3)
    x = jax.random.normal(k1, (B, T, C), dtype=jnp.float32)
    mask = jax.random.randint(k2, (B, T, 1), 0, 2, dtype=jnp.int64)
    pos_emb = jnp.zeros((1, MAX_LEN, C), dtype=jnp.float32)
    mask_table = jax.random.normal(k3, (2, C), dtype=jnp.float32)
    return {"x": x, "mask": mask, "pos_emb": pos_emb, "mask_table": mask_table}

def reference(x, mask, pos_emb, mask_table):
    b, t, c = x.shape
    pos = pos_emb[:, :t, :]
    m_idx = mask[..., 0]
    m_emb = jnp.take(mask_table, m_idx, axis=0)
    return pos + m_emb

if __name__ == "__main__":
    import jax
    _d = setup_inputs()
    print(jax.jit(kernel)(*tuple(_d.values())))

</pallas_src>

<mosaic_0001>
#map = affine_map<(d0, d1) -> (0, 0)>
#map1 = affine_map<(d0, d1) -> (0)>
module attributes {stable_mosaic.version = 14 : i64} {
  func.func @sc_gather(%arg0: i32, %arg1: i32, %arg2: memref<400x128xf32, #tpu.memory_space<hbm>>, %arg3: memref<204800xi32, #tpu.memory_space<hbm>>, %arg4: memref<204800x128xf32, #tpu.memory_space<hbm>>, %arg5: memref<400x128xf32, #tpu.memory_space<vmem_shared>>, %arg6: memref<6400xi32, #tpu.memory_space<vmem>>, %arg7: memref<50x128xi32, #tpu.memory_space<vmem>>, %arg8: memref<2x256x128xf32, #tpu.memory_space<vmem>>, %arg9: memref<!tpu.dma_semaphore, #tpu.memory_space<semaphore_mem>>, %arg10: memref<!tpu.dma_semaphore, #tpu.memory_space<semaphore_mem>>) attributes {dimension_semantics = [#tpu.dimension_semantics<core_parallel>, #tpu.dimension_semantics<subcore_parallel>], iteration_bounds = array<i64: 2, 16>, scalar_prefetch = 0 : i64, scratch_operands = 6 : i64, tpu.core_type = #tpu.core_type<sc_vector_subcore>, window_params = [{transform_indices = #map}, {transform_indices = #map1}, {transform_indices = #map}]} {
    %mul3A = arith.constant 2 : i32
    %mul3A_0 = arith.muli %arg1, %mul3A : i32
    %add3A = arith.addi %mul3A_0, %arg0 : i32
    %mul3A_1 = arith.constant 6400 : i32
    %mul3A_2 = arith.muli %add3A, %mul3A_1 : i32
    %eq3A = arith.constant 0 : i32
    %eq3A_3 = arith.cmpi eq, %arg1, %eq3A : i32
    %convert_element_type3A = arith.extui %eq3A_3 : i1 to i32
    %cond3A = arith.constant 0 : i32
    %cond3A_4 = arith.cmpi ne, %convert_element_type3A, %cond3A : i32
    scf.if %cond3A_4 {
      "tpu.region"() ({
        %run_scoped3A_102 = tpu.sem_alloc : memref<!tpu.dma_semaphore, #tpu.memory_space<semaphore_mem>>
        tpu.enqueue_dma source(%arg2 : memref<400x128xf32, #tpu.memory_space<hbm>>) target(%arg5 : memref<400x128xf32, #tpu.memory_space<vmem_shared>>) target_semaphore(%run_scoped3A_102 : memref<!tpu.dma_semaphore, #tpu.memory_space<semaphore_mem>>)
        tpu.wait_dma2 semaphore(%run_scoped3A_102 : memref<!tpu.dma_semaphore, #tpu.memory_space<semaphore_mem>>) src(%arg2 : memref<400x128xf32, #tpu.memory_space<hbm>>) dst(%arg5 : memref<400x128xf32, #tpu.memory_space<vmem_shared>>)
        tpu.yield
      }) : () -> ()
    } else {
    }
    "tpu.region"() ({
      %run_scoped3A_102 = tpu.sem_alloc : memref<!tpu.dma_semaphore, #tpu.memory_space<semaphore_mem>>
      %dma_start3A_103 = tpu.memref_slice %arg3[%mul3A_2] : memref<204800xi32, #tpu.memory_space<hbm>> -> memref<6400xi32, #tpu.memory_space<hbm>>
      %dma_start3A_104 = tpu.memref_slice %arg3[%mul3A_2] : memref<204800xi32, #tpu.memory_space<hbm>> -> memref<6400xi32, #tpu.memory_space<hbm>>
      tpu.enqueue_dma source(%dma_start3A_104 : memref<6400xi32, #tpu.memory_space<hbm>>) target(%arg6 : memref<6400xi32, #tpu.memory_space<vmem>>) target_semaphore(%run_scoped3A_102 : memref<!tpu.dma_semaphore, #tpu.memory_space<semaphore_mem>>)
      %dma_wait3A_105 = tpu.memref_slice %arg3[%mul3A_2] : memref<204800xi32, #tpu.memory_space<hbm>> -> memref<6400xi32, #tpu.memory_space<hbm>>
      %dma_wait3A_106 = tpu.memref_slice %arg3[%mul3A_2] : memref<204800xi32, #tpu.memory_space<hbm>> -> memref<6400xi32, #tpu.memory_space<hbm>>
      tpu.wait_dma2 semaphore(%run_scoped3A_102 : memref<!tpu.dma_semaphore, #tpu.memory_space<semaphore_mem>>) src(%dma_wait3A_106 : memref<6400xi32, #tpu.memory_space<hbm>>) dst(%arg6 : memref<6400xi32, #tpu.memory_space<vmem>>)
      tpu.yield
    }) : () -> ()
    %iota3A = tpu.iota {dimensions = array<i32: 0>} : vector<16xi32>
    %scan3A = arith.constant 0 : i32
    %scan3A_5 = arith.constant 0 : i32
    %scan3A_6 = arith.constant 4 : i32
    %scan3A_7 = arith.addi %scan3A_5, %scan3A_6 : i32
    %scan3A_8 = arith.constant 1 : i32
    %scan3A_9 = scf.for %scan3A_102 = %scan3A_5 to %scan3A_7 step %scan3A_8 iter_args(%scan3A_103 = %scan3A) -> (i32)  : i32 {
      %scan3A_104 = arith.constant 0 : i32
      %scan3A_105 = arith.constant 0 : i32
      %scan3A_106 = arith.constant 8 : i32
      %scan3A_107 = arith.addi %scan3A_105, %scan3A_106 : i32
      %scan3A_108 = arith.constant 1 : i32
      %scan3A_109 = scf.for %scan3A_111 = %scan3A_105 to %scan3A_107 step %scan3A_108 iter_args(%scan3A_112 = %scan3A_104) -> (i32)  : i32 {
        %mul3A_113 = arith.constant 128 : i32
        %mul3A_114 = arith.muli %scan3A_102, %mul3A_113 : i32
        %mul3A_115 = arith.constant 16 : i32
        %mul3A_116 = arith.muli %scan3A_111, %mul3A_115 : i32
        %add3A_117 = arith.addi %mul3A_114, %mul3A_116 : i32
        %get3A = arith.index_cast %add3A_117 : i32 to index
        %get3A_118 = tpu.vector_load %arg6[%get3A] {strides = array<i32>} : memref<6400xi32, #tpu.memory_space<vmem>>, vector<16xi32>,
        %get3A_119 = vector.shape_cast %get3A_118 : vector<16xi32> to vector<16xi32>
        %add3A_120 = arith.addi %mul3A_2, %add3A_117 : i32
        %add3A_121 = vector.broadcast %add3A_120 : i32 to vector<16xi32>
        %add3A_122 = arith.addi %add3A_121, %iota3A : vector<16xi32>
        %rem3A = arith.constant 200 : i32
        %rem3A_123 = vector.broadcast %rem3A : i32 to vector<16xi32>
        %rem3A_124 = arith.remsi %add3A_122, %rem3A_123 : vector<16xi32>
        %mul3A_125 = arith.constant 200 : i32
        %mul3A_126 = vector.broadcast %mul3A_125 : i32 to vector<16xi32>
        %mul3A_127 = arith.muli %get3A_119, %mul3A_126 : vector<16xi32>
        %add3A_128 = arith.addi %mul3A_127, %rem3A_124 : vector<16xi32>
        %mul3A_129 = arith.constant 16 : i32
        %mul3A_130 = arith.muli %scan3A_111, %mul3A_129 : i32
        %swap3A = arith.index_cast %scan3A_102 : i32 to index
        %swap3A_131 = arith.index_cast %mul3A_130 : i32 to index
        %swap3A_132 = tpu.vector_load %arg7[%swap3A, %swap3A_131] {strides = array<i32>} : memref<50x128xi32, #tpu.memory_space<vmem>>, vector<1x16xi32>,
        %swap3A_133 = vector.shape_cast %swap3A_132 : vector<1x16xi32> to vector<16xi32>
        %swap3A_134 = vector.shape_cast %add3A_128 : vector<16xi32> to vector<1x16xi32>
        tpu.vector_store %arg7[%swap3A, %swap3A_131], %swap3A_134 {strides = array<i32>} : memref<50x128xi32, #tpu.memory_space<vmem>>, vector<1x16xi32>,
        %scan3A_135 = arith.constant 0 : i32
        scf.yield %scan3A_135 : i32
      }
      %scan3A_110 = arith.constant 8 : i32
      scf.yield %scan3A_109 : i32
    }
    %scan3A_10 = arith.constant 4 : i32
    %barrier3A = arith.constant 0 : index
    tpu.barrier barrier_id(%barrier3A)
    %dma_start3A = arith.constant 0 : i32
    %dma_start3A_11 = arith.constant 0 : i32
    %dma_start3A_12 = arith.constant 0 : i32
    %dma_start3A_13 = arith.constant 0 : i32
    %dma_start3A_14 = tpu.memref_slice %arg8[%dma_start3A_11, %dma_start3A_12, %dma_start3A_13] : memref<2x256x128xf32, #tpu.memory_space<vmem>> -> memref<1x256x128xf32, #tpu.memory_space<vmem>>
    %dma_start3A_15 = tpu.memref_squeeze %dma_start3A_14 : memref<1x256x128xf32, #tpu.memory_space<vmem>> -> memref<256x128xf32, #tpu.memory_space<vmem>>
    %dma_start3A_16 = arith.constant 0 : i32
    %dma_start3A_17 = arith.constant 0 : i32
    %dma_start3A_18 = tpu.memref_slice %dma_start3A_15[%dma_start3A_16, %dma_start3A_17] : memref<256x128xf32, #tpu.memory_space<vmem>> -> memref<128x128xf32, #tpu.memory_space<vmem>>
    %dma_start3A_19 = arith.constant 0 : i32
    %dma_start3A_20 = tpu.memref_slice %arg7[%dma_start3A, %dma_start3A_19] : memref<50x128xi32, #tpu.memory_space<vmem>> -> memref<1x128xi32, #tpu.memory_space<vmem>>
    %dma_start3A_21 = tpu.memref_squeeze %dma_start3A_20 : memref<1x128xi32, #tpu.memory_space<vmem>> -> memref<128xi32, #tpu.memory_space<vmem>>
    %dma_start3A_22 = arith.constant 0 : i32
    %dma_start3A_23 = arith.constant 0 : i32
    %dma_start3A_24 = tpu.memref_slice %arg5[%dma_start3A_22, %dma_start3A_23] : memref<400x128xf32, #tpu.memory_space<vmem_shared>> -> memref<400x128xf32, #tpu.memory_space<vmem_shared>>
    tpu.enqueue_indirect_dma source(%dma_start3A_24 : memref<400x128xf32, #tpu.memory_space<vmem_shared>>) target(%dma_start3A_18 : memref<128x128xf32, #tpu.memory_space<vmem>>) offsets(%dma_start3A_21 : memref<128xi32, #tpu.memory_space<vmem>>) semaphore(%arg9 : memref<!tpu.dma_semaphore, #tpu.memory_space<semaphore_mem>>)
    %dma_start3A_25 = arith.constant 1 : i32
    %dma_start3A_26 = arith.constant 0 : i32
    %dma_start3A_27 = arith.constant 0 : i32
    %dma_start3A_28 = arith.constant 0 : i32
    %dma_start3A_29 = tpu.memref_slice %arg8[%dma_start3A_26, %dma_start3A_27, %dma_start3A_28] : memref<2x256x128xf32, #tpu.memory_space<vmem>> -> memref<1x256x128xf32, #tpu.memory_space<vmem>>
    %dma_start3A_30 = tpu.memref_squeeze %dma_start3A_29 : memref<1x256x128xf32, #tpu.memory_space<vmem>> -> memref<256x128xf32, #tpu.memory_space<vmem>>
    %dma_start3A_31 = arith.constant 128 : i32
    %dma_start3A_32 = arith.constant 0 : i32
    %dma_start3A_33 = tpu.memref_slice %dma_start3A_30[%dma_start3A_31, %dma_start3A_32] : memref<256x128xf32, #tpu.memory_space<vmem>> -> memref<128x128xf32, #tpu.memory_space<vmem>>
    %dma_start3A_34 = arith.constant 0 : i32
    %dma_start3A_35 = tpu.memref_slice %arg7[%dma_start3A_25, %dma_start3A_34] : memref<50x128xi32, #tpu.memory_space<vmem>> -> memref<1x128xi32, #tpu.memory_space<vmem>>
    %dma_start3A_36 = tpu.memref_squeeze %dma_start3A_35 : memref<1x128xi32, #tpu.memory_space<vmem>> -> memref<128xi32, #tpu.memory_space<vmem>>
    %dma_start3A_37 = arith.constant 0 : i32
    %dma_start3A_38 = arith.constant 0 : i32
    %dma_start3A_39 = tpu.memref_slice %arg5[%dma_start3A_37, %dma_start3A_38] : memref<400x128xf32, #tpu.memory_space<vmem_shared>> -> memref<400x128xf32, #tpu.memory_space<vmem_shared>>
    tpu.enqueue_indirect_dma source(%dma_start3A_39 : memref<400x128xf32, #tpu.memory_space<vmem_shared>>) target(%dma_start3A_33 : memref<128x128xf32, #tpu.memory_space<vmem>>) offsets(%dma_start3A_36 : memref<128xi32, #tpu.memory_space<vmem>>) semaphore(%arg9 : memref<!tpu.dma_semaphore, #tpu.memory_space<semaphore_mem>>)
    %dma_start3A_40 = arith.constant 2 : i32
    %dma_start3A_41 = arith.constant 1 : i32
    %dma_start3A_42 = arith.constant 0 : i32
    %dma_start3A_43 = arith.constant 0 : i32
    %dma_start3A_44 = tpu.memref_slice %arg8[%dma_start3A_41, %dma_start3A_42, %dma_start3A_43] : memref<2x256x128xf32, #tpu.memory_space<vmem>> -> memref<1x256x128xf32, #tpu.memory_space<vmem>>
    %dma_start3A_45 = tpu.memref_squeeze %dma_start3A_44 : memref<1x256x128xf32, #tpu.memory_space<vmem>> -> memref<256x128xf32, #tpu.memory_space<vmem>>
    %dma_start3A_46 = arith.constant 0 : i32
    %dma_start3A_47 = arith.constant 0 : i32
    %dma_start3A_48 = tpu.memref_slice %dma_start3A_45[%dma_start3A_46, %dma_start3A_47] : memref<256x128xf32, #tpu.memory_space<vmem>> -> memref<128x128xf32, #tpu.memory_space<vmem>>
    %dma_start3A_49 = arith.constant 0 : i32
    %dma_start3A_50 = tpu.memref_slice %arg7[%dma_start3A_40, %dma_start3A_49] : memref<50x128xi32, #tpu.memory_space<vmem>> -> memref<1x128xi32, #tpu.memory_space<vmem>>
    %dma_start3A_51 = tpu.memref_squeeze %dma_start3A_50 : memref<1x128xi32, #tpu.memory_space<vmem>> -> memref<128xi32, #tpu.memory_space<vmem>>
    %dma_start3A_52 = arith.constant 0 : i32
    %dma_start3A_53 = arith.constant 0 : i32
    %dma_start3A_54 = tpu.memref_slice %arg5[%dma_start3A_52, %dma_start3A_53] : memref<400x128xf32, #tpu.memory_space<vmem_shared>> -> memref<400x128xf32, #tpu.memory_space<vmem_shared>>
    tpu.enqueue_indirect_dma source(%dma_start3A_54 : memref<400x128xf32, #tpu.memory_space<vmem_shared>>) target(%dma_start3A_48 : memref<128x128xf32, #tpu.memory_space<vmem>>) offsets(%dma_start3A_51 : memref<128xi32, #tpu.memory_space<vmem>>) semaphore(%arg10 : memref<!tpu.dma_semaphore, #tpu.memory_space<semaphore_mem>>)
    %dma_start3A_55 = arith.constant 3 : i32
    %dma_start3A_56 = arith.constant 1 : i32
    %dma_start3A_57 = arith.constant 0 : i32
    %dma_start3A_58 = arith.constant 0 : i32
    %dma_start3A_59 = tpu.memref_slice %arg8[%dma_start3A_56, %dma_start3A_57, %dma_start3A_58] : memref<2x256x128xf32, #tpu.memory_space<vmem>> -> memref<1x256x128xf32, #tpu.memory_space<vmem>>
    %dma_start3A_60 = tpu.memref_squeeze %dma_start3A_59 : memref<1x256x128xf32, #tpu.memory_space<vmem>> -> memref<256x128xf32, #tpu.memory_space<vmem>>
    %dma_start3A_61 = arith.constant 128 : i32
    %dma_start3A_62 = arith.constant 0 : i32
    %dma_start3A_63 = tpu.memref_slice %dma_start3A_60[%dma_start3A_61, %dma_start3A_62] : memref<256x128xf32, #tpu.memory_space<vmem>> -> memref<128x128xf32, #tpu.memory_space<vmem>>
    %dma_start3A_64 = arith.constant 0 : i32
    %dma_start3A_65 = tpu.memref_slice %arg7[%dma_start3A_55, %dma_start3A_64] : memref<50x128xi32, #tpu.memory_space<vmem>> -> memref<1x128xi32, #tpu.memory_space<vmem>>
    %dma_start3A_66 = tpu.memref_squeeze %dma_start3A_65 : memref<1x128xi32, #tpu.memory_space<vmem>> -> memref<128xi32, #tpu.memory_space<vmem>>
    %dma_start3A_67 = arith.constant 0 : i32
    %dma_start3A_68 = arith.constant 0 : i32
    %dma_start3A_69 = tpu.memref_slice %arg5[%dma_start3A_67, %dma_start3A_68] : memref<400x128xf32, #tpu.memory_space<vmem_shared>> -> memref<400x128xf32, #tpu.memory_space<vmem_shared>>
    tpu.enqueue_indirect_dma source(%dma_start3A_69 : memref<400x128xf32, #tpu.memory_space<vmem_shared>>) target(%dma_start3A_63 : memref<128x128xf32, #tpu.memory_space<vmem>>) offsets(%dma_start3A_66 : memref<128xi32, #tpu.memory_space<vmem>>) semaphore(%arg10 : memref<!tpu.dma_semaphore, #tpu.memory_space<semaphore_mem>>)
    %scan3A_70 = arith.constant 0 : i32
    %scan3A_71 = arith.constant 4 : i32
    %scan3A_72 = arith.constant 46 : i32
    %scan3A_73 = arith.addi %scan3A_71, %scan3A_72 : i32
    %scan3A_74 = arith.constant 1 : i32
    %scan3A_75 = scf.for %scan3A_102 = %scan3A_71 to %scan3A_73 step %scan3A_74 iter_args(%scan3A_103 = %scan3A_70) -> (i32)  : i32 {
      %scan3A_104 = arith.constant 0 : i32
      %scan3A_105 = arith.constant 0 : i32
      %scan3A_106 = arith.constant 8 : i32
      %scan3A_107 = arith.addi %scan3A_105, %scan3A_106 : i32
      %scan3A_108 = arith.constant 1 : i32
      %scan3A_109 = scf.for %scan3A_111 = %scan3A_105 to %scan3A_107 step %scan3A_108 iter_args(%scan3A_112 = %scan3A_104) -> (i32)  : i32 {
        %mul3A_113 = arith.constant 128 : i32
        %mul3A_114 = arith.muli %scan3A_102, %mul3A_113 : i32
        %mul3A_115 = arith.constant 16 : i32
        %mul3A_116 = arith.muli %scan3A_111, %mul3A_115 : i32
        %add3A_117 = arith.addi %mul3A_114, %mul3A_116 : i32
        %get3A = arith.index_cast %add3A_117 : i32 to index
        %get3A_118 = tpu.vector_load %arg6[%get3A] {strides = array<i32>} : memref<6400xi32, #tpu.memory_space<vmem>>, vector<16xi32>,
        %get3A_119 = vector.shape_cast %get3A_118 : vector<16xi32> to vector<16xi32>
        %add3A_120 = arith.addi %mul3A_2, %add3A_117 : i32
        %add3A_121 = vector.broadcast %add3A_120 : i32 to vector<16xi32>
        %add3A_122 = arith.addi %add3A_121, %iota3A : vector<16xi32>
        %rem3A = arith.constant 200 : i32
        %rem3A_123 = vector.broadcast %rem3A : i32 to vector<16xi32>
        %rem3A_124 = arith.remsi %add3A_122, %rem3A_123 : vector<16xi32>
        %mul3A_125 = arith.constant 200 : i32
        %mul3A_126 = vector.broadcast %mul3A_125 : i32 to vector<16xi32>
        %mul3A_127 = arith.muli %get3A_119, %mul3A_126 : vector<16xi32>
        %add3A_128 = arith.addi %mul3A_127, %rem3A_124 : vector<16xi32>
        %mul3A_129 = arith.constant 16 : i32
        %mul3A_130 = arith.muli %scan3A_111, %mul3A_129 : i32
        %swap3A = arith.index_cast %scan3A_102 : i32 to index
        %swap3A_131 = arith.index_cast %mul3A_130 : i32 to index
        %swap3A_132 = tpu.vector_load %arg7[%swap3A, %swap3A_131] {strides = array<i32>} : memref<50x128xi32, #tpu.memory_space<vmem>>, vector<1x16xi32>,
        %swap3A_133 = vector.shape_cast %swap3A_132 : vector<1x16xi32> to vector<16xi32>
        %swap3A_134 = vector.shape_cast %add3A_128 : vector<16xi32> to vector<1x16xi32>
        tpu.vector_store %arg7[%swap3A, %swap3A_131], %swap3A_134 {strides = array<i32>} : memref<50x128xi32, #tpu.memory_space<vmem>>, vector<1x16xi32>,
        %scan3A_135 = arith.constant 0 : i32
        scf.yield %scan3A_135 : i32
      }
      %scan3A_110 = arith.constant 8 : i32
      scf.yield %scan3A_109 : i32
    }
    %scan3A_76 = arith.constant 46 : i32
    %scan3A_77 = arith.constant 0 : i32
    %scan3A_78 = arith.constant 1 : i32
    %scan3A_79 = arith.constant 0 : i32
    %scan3A_80 = arith.constant 0 : i32
    %scan3A_81 = arith.constant 12 : i32
    %scan3A_82 = arith.addi %scan3A_80, %scan3A_81 : i32
    %scan3A_83 = arith.constant 1 : i32
    %scan3A_84 = scf.for %scan3A_102 = %scan3A_80 to %scan3A_82 step %scan3A_83 iter_args(%scan3A_103 = %scan3A_79) -> (i32)  : i32 {
      %mul3A_104 = arith.constant 2 : i32
      %mul3A_105 = arith.muli %mul3A_104, %scan3A_102 : i32
      %add3A_106 = arith.constant 1 : i32
      %add3A_107 = arith.addi %mul3A_105, %add3A_106 : i32
      %dma_wait3A_108 = arith.constant 0 : i32
      %dma_wait3A_109 = arith.constant 0 : i32
      %dma_wait3A_110 = tpu.memref_slice %arg8[%scan3A_77, %dma_wait3A_108, %dma_wait3A_109] : memref<2x256x128xf32, #tpu.memory_space<vmem>> -> memref<1x256x128xf32, #tpu.memory_space<vmem>>
      %dma_wait3A_111 = tpu.memref_squeeze %dma_wait3A_110 : memref<1x256x128xf32, #tpu.memory_space<vmem>> -> memref<256x128xf32, #tpu.memory_space<vmem>>
      %dma_wait3A_112 = arith.constant 0 : i32
      %dma_wait3A_113 = arith.constant 0 : i32
      %dma_wait3A_114 = tpu.memref_slice %arg4[%dma_wait3A_112, %dma_wait3A_113] : memref<204800x128xf32, #tpu.memory_space<hbm>> -> memref<256x128xf32, #tpu.memory_space<hbm>>
      %dma_wait3A_115 = arith.constant 0 : i32
      %dma_wait3A_116 = arith.constant 0 : i32
      %dma_wait3A_117 = tpu.memref_slice %arg8[%scan3A_77, %dma_wait3A_115, %dma_wait3A_116] : memref<2x256x128xf32, #tpu.memory_space<vmem>> -> memref<1x256x128xf32, #tpu.memory_space<vmem>>
      %dma_wait3A_118 = tpu.memref_squeeze %dma_wait3A_117 : memref<1x256x128xf32, #tpu.memory_space<vmem>> -> memref<256x128xf32, #tpu.memory_space<vmem>>
      %dma_wait3A_119 = arith.constant 0 : i32
      %dma_wait3A_120 = arith.constant 0 : i32
      %dma_wait3A_121 = tpu.memref_slice %arg4[%dma_wait3A_119, %dma_wait3A_120] : memref<204800x128xf32, #tpu.memory_space<hbm>> -> memref<256x128xf32, #tpu.memory_space<hbm>>
      tpu.wait_dma2 semaphore(%arg9 : memref<!tpu.dma_semaphore, #tpu.memory_space<semaphore_mem>>) src(%dma_wait3A_121 : memref<256x128xf32, #tpu.memory_space<hbm>>) dst(%dma_wait3A_118 : memref<256x128xf32, #tpu.memory_space<vmem>>)
      %mul3A_122 = arith.constant 256 : i32
      %mul3A_123 = arith.muli %mul3A_105, %mul3A_122 : i32
      %add3A_124 = arith.addi %mul3A_2, %mul3A_123 : i32
      "tpu.region"() ({
        %run_scoped3A_156 = tpu.sem_alloc : memref<!tpu.dma_semaphore, #tpu.memory_space<semaphore_mem>>
        %dma_start3A_157 = arith.constant 0 : i32
        %dma_start3A_158 = arith.constant 0 : i32
        %dma_start3A_159 = tpu.memref_slice %arg8[%scan3A_77, %dma_start3A_157, %dma_start3A_158] : memref<2x256x128xf32, #tpu.memory_space<vmem>> -> memref<1x256x128xf32, #tpu.memory_space<vmem>>
        %dma_start3A_160 = tpu.memref_squeeze %dma_start3A_159 : memref<1x256x128xf32, #tpu.memory_space<vmem>> -> memref<256x128xf32, #tpu.memory_space<vmem>>
        %dma_start3A_161 = arith.constant 0 : i32
        %dma_start3A_162 = tpu.memref_slice %arg4[%add3A_124, %dma_start3A_161] : memref<204800x128xf32, #tpu.memory_space<hbm>> -> memref<256x128xf32, #tpu.memory_space<hbm>>
        %dma_start3A_163 = arith.constant 0 : i32
        %dma_start3A_164 = tpu.memref_slice %arg4[%add3A_124, %dma_start3A_163] : memref<204800x128xf32, #tpu.memory_space<hbm>> -> memref<256x128xf32, #tpu.memory_space<hbm>>
        %dma_start3A_165 = arith.constant 0 : i32
        %dma_start3A_166 = arith.constant 0 : i32
        %dma_start3A_167 = tpu.memref_slice %arg8[%scan3A_77, %dma_start3A_165, %dma_start3A_166] : memref<2x256x128xf32, #tpu.memory_space<vmem>> -> memref<1x256x128xf32, #tpu.memory_space<vmem>>
        %dma_start3A_168 = tpu.memref_squeeze %dma_start3A_167 : memref<1x256x128xf32, #tpu.memory_space<vmem>> -> memref<256x128xf32, #tpu.memory_space<vmem>>
        tpu.enqueue_dma source(%dma_start3A_168 : memref<256x128xf32, #tpu.memory_space<vmem>>) target(%dma_start3A_164 : memref<256x128xf32, #tpu.memory_space<hbm>>) target_semaphore(%run_scoped3A_156 : memref<!tpu.dma_semaphore, #tpu.memory_space<semaphore_mem>>)
        %dma_wait3A_169 = arith.constant 0 : i32
        %dma_wait3A_170 = arith.constant 0 : i32
        %dma_wait3A_171 = tpu.memref_slice %arg8[%scan3A_77, %dma_wait3A_169, %dma_wait3A_170] : memref<2x256x128xf32, #tpu.memory_space<vmem>> -> memref<1x256x128xf32, #tpu.memory_space<vmem>>
        %dma_wait3A_172 = tpu.memref_squeeze %dma_wait3A_171 : memref<1x256x128xf32, #tpu.memory_space<vmem>> -> memref<256x128xf32, #tpu.memory_space<vmem>>
        %dma_wait3A_173 = arith.constant 0 : i32
        %dma_wait3A_174 = tpu.memref_slice %arg4[%add3A_124, %dma_wait3A_173] : memref<204800x128xf32, #tpu.memory_space<hbm>> -> memref<256x128xf32, #tpu.memory_space<hbm>>
        %dma_wait3A_175 = arith.constant 0 : i32
        %dma_wait3A_176 = tpu.memref_slice %arg4[%add3A_124, %dma_wait3A_175] : memref<204800x128xf32, #tpu.memory_space<hbm>> -> memref<256x128xf32, #tpu.memory_space<hbm>>
        %dma_wait3A_177 = arith.constant 0 : i32
        %dma_wait3A_178 = arith.constant 0 : i32
        %dma_wait3A_179 = tpu.memref_slice %arg8[%scan3A_77, %dma_wait3A_177, %dma_wait3A_178] : memref<2x256x128xf32, #tpu.memory_space<vmem>> -> memref<1x256x128xf32, #tpu.memory_space<vmem>>
        %dma_wait3A_180 = tpu.memref_squeeze %dma_wait3A_179 : memref<1x256x128xf32, #tpu.memory_space<vmem>> -> memref<256x128xf32, #tpu.memory_space<vmem>>
        tpu.wait_dma2 semaphore(%run_scoped3A_156 : memref<!tpu.dma_semaphore, #tpu.memory_space<semaphore_mem>>) src(%dma_wait3A_180 : memref<256x128xf32, #tpu.memory_space<vmem>>) dst(%dma_wait3A_176 : memref<256x128xf32, #tpu.memory_space<hbm>>)
        tpu.yield
      }) : () -> ()
      %add3A_125 = arith.constant 2 : i32
      %add3A_126 = arith.addi %mul3A_105, %add3A_125 : i32
      %lt3A = arith.constant 25 : i32
      %lt3A_127 = arith.cmpi slt, %add3A_126, %lt3A : i32
      %convert_element_type3A_128 = arith.extui %lt3A_127 : i1 to i32
      %cond3A_129 = arith.constant 0 : i32
      %cond3A_130 = arith.cmpi ne, %convert_element_type3A_128, %cond3A_129 : i32
      scf.if %cond3A_130 {
        %add3A_156 = arith.constant 2 : i32
        %add3A_157 = arith.addi %mul3A_105, %add3A_156 : i32
        %mul3A_158 = arith.constant 2 : i32
        %mul3A_159 = arith.muli %mul3A_158, %add3A_157 : i32
        %dma_start3A_160 = arith.constant 0 : i32
        %dma_start3A_161 = arith.constant 0 : i32
        %dma_start3A_162 = tpu.memref_slice %arg8[%scan3A_77, %dma_start3A_160, %dma_start3A_161] : memref<2x256x128xf32, #tpu.memory_space<vmem>> -> memref<1x256x128xf32, #tpu.memory_space<vmem>>
        %dma_start3A_163 = tpu.memref_squeeze %dma_start3A_162 : memref<1x256x128xf32, #tpu.memory_space<vmem>> -> memref<256x128xf32, #tpu.memory_space<vmem>>
        %dma_start3A_164 = arith.constant 0 : i32
        %dma_start3A_165 = arith.constant 0 : i32
        %dma_start3A_166 = tpu.memref_slice %dma_start3A_163[%dma_start3A_164, %dma_start3A_165] : memref<256x128xf32, #tpu.memory_space<vmem>> -> memref<128x128xf32, #tpu.memory_space<vmem>>
        %dma_start3A_167 = arith.constant 0 : i32
        %dma_start3A_168 = tpu.memref_slice %arg7[%mul3A_159, %dma_start3A_167] : memref<50x128xi32, #tpu.memory_space<vmem>> -> memref<1x128xi32, #tpu.memory_space<vmem>>
        %dma_start3A_169 = tpu.memref_squeeze %dma_start3A_168 : memref<1x128xi32, #tpu.memory_space<vmem>> -> memref<128xi32, #tpu.memory_space<vmem>>
        %dma_start3A_170 = arith.constant 0 : i32
        %dma_start3A_171 = arith.constant 0 : i32
        %dma_start3A_172 = tpu.memref_slice %arg5[%dma_start3A_170, %dma_start3A_171] : memref<400x128xf32, #tpu.memory_space<vmem_shared>> -> memref<400x128xf32, #tpu.memory_space<vmem_shared>>
        tpu.enqueue_indirect_dma source(%dma_start3A_172 : memref<400x128xf32, #tpu.memory_space<vmem_shared>>) target(%dma_start3A_166 : memref<128x128xf32, #tpu.memory_space<vmem>>) offsets(%dma_start3A_169 : memref<128xi32, #tpu.memory_space<vmem>>) semaphore(%arg9 : memref<!tpu.dma_semaphore, #tpu.memory_space<semaphore_mem>>)
        %mul3A_173 = arith.constant 2 : i32
        %mul3A_174 = arith.muli %mul3A_173, %add3A_157 : i32
        %add3A_175 = arith.constant 1 : i32
        %add3A_176 = arith.addi %mul3A_174, %add3A_175 : i32
        %dma_start3A_177 = arith.constant 0 : i32
        %dma_start3A_178 = arith.constant 0 : i32
        %dma_start3A_179 = tpu.memref_slice %arg8[%scan3A_77, %dma_start3A_177, %dma_start3A_178] : memref<2x256x128xf32, #tpu.memory_space<vmem>> -> memref<1x256x128xf32, #tpu.memory_space<vmem>>
        %dma_start3A_180 = tpu.memref_squeeze %dma_start3A_179 : memref<1x256x128xf32, #tpu.memory_space<vmem>> -> memref<256x128xf32, #tpu.memory_space<vmem>>
        %dma_start3A_181 = arith.constant 128 : i32
        %dma_start3A_182 = arith.constant 0 : i32
        %dma_start3A_183 = tpu.memref_slice %dma_start3A_180[%dma_start3A_181, %dma_start3A_182] : memref<256x128xf32, #tpu.memory_space<vmem>> -> memref<128x128xf32, #tpu.memory_space<vmem>>
        %dma_start3A_184 = arith.constant 0 : i32
        %dma_start3A_185 = tpu.memref_slice %arg7[%add3A_176, %dma_start3A_184] : memref<50x128xi32, #tpu.memory_space<vmem>> -> memref<1x128xi32, #tpu.memory_space<vmem>>
        %dma_start3A_186 = tpu.memref_squeeze %dma_start3A_185 : memref<1x128xi32, #tpu.memory_space<vmem>> -> memref<128xi32, #tpu.memory_space<vmem>>
        %dma_start3A_187 = arith.constant 0 : i32
        %dma_start3A_188 = arith.constant 0 : i32
        %dma_start3A_189 = tpu.memref_slice %arg5[%dma_start3A_187, %dma_start3A_188] : memref<400x128xf32, #tpu.memory_space<vmem_shared>> -> memref<400x128xf32, #tpu.memory_space<vmem_shared>>
        tpu.enqueue_indirect_dma source(%dma_start3A_189 : memref<400x128xf32, #tpu.memory_space<vmem_shared>>) target(%dma_start3A_183 : memref<128x128xf32, #tpu.memory_space<vmem>>) offsets(%dma_start3A_186 : memref<128xi32, #tpu.memory_space<vmem>>) semaphore(%arg9 : memref<!tpu.dma_semaphore, #tpu.memory_space<semaphore_mem>>)
      } else {
      }
      %dma_wait3A_131 = arith.constant 0 : i32
      %dma_wait3A_132 = arith.constant 0 : i32
      %dma_wait3A_133 = tpu.memref_slice %arg8[%scan3A_78, %dma_wait3A_131, %dma_wait3A_132] : memref<2x256x128xf32, #tpu.memory_space<vmem>> -> memref<1x256x128xf32, #tpu.memory_space<vmem>>
      %dma_wait3A_134 = tpu.memref_squeeze %dma_wait3A_133 : memref<1x256x128xf32, #tpu.memory_space<vmem>> -> memref<256x128xf32, #tpu.memory_space<vmem>>
      %dma_wait3A_135 = arith.constant 0 : i32
      %dma_wait3A_136 = arith.constant 0 : i32
      %dma_wait3A_137 = tpu.memref_slice %arg4[%dma_wait3A_135, %dma_wait3A_136] : memref<204800x128xf32, #tpu.memory_space<hbm>> -> memref<256x128xf32, #tpu.memory_space<hbm>>
      %dma_wait3A_138 = arith.constant 0 : i32
      %dma_wait3A_139 = arith.constant 0 : i32
      %dma_wait3A_140 = tpu.memref_slice %arg8[%scan3A_78, %dma_wait3A_138, %dma_wait3A_139] : memref<2x256x128xf32, #tpu.memory_space<vmem>> -> memref<1x256x128xf32, #tpu.memory_space<vmem>>
      %dma_wait3A_141 = tpu.memref_squeeze %dma_wait3A_140 : memref<1x256x128xf32, #tpu.memory_space<vmem>> -> memref<256x128xf32, #tpu.memory_space<vmem>>
      %dma_wait3A_142 = arith.constant 0 : i32
      %dma_wait3A_143 = arith.constant 0 : i32
      %dma_wait3A_144 = tpu.memref_slice %arg4[%dma_wait3A_142, %dma_wait3A_143] : memref<204800x128xf32, #tpu.memory_space<hbm>> -> memref<256x128xf32, #tpu.memory_space<hbm>>
      tpu.wait_dma2 semaphore(%arg10 : memref<!tpu.dma_semaphore, #tpu.memory_space<semaphore_mem>>) src(%dma_wait3A_144 : memref<256x128xf32, #tpu.memory_space<hbm>>) dst(%dma_wait3A_141 : memref<256x128xf32, #tpu.memory_space<vmem>>)
      %mul3A_145 = arith.constant 256 : i32
      %mul3A_146 = arith.muli %add3A_107, %mul3A_145 : i32
      %add3A_147 = arith.addi %mul3A_2, %mul3A_146 : i32
      "tpu.region"() ({
        %run_scoped3A_156 = tpu.sem_alloc : memref<!tpu.dma_semaphore, #tpu.memory_space<semaphore_mem>>
        %dma_start3A_157 = arith.constant 0 : i32
        %dma_start3A_158 = arith.constant 0 : i32
        %dma_start3A_159 = tpu.memref_slice %arg8[%scan3A_78, %dma_start3A_157, %dma_start3A_158] : memref<2x256x128xf32, #tpu.memory_space<vmem>> -> memref<1x256x128xf32, #tpu.memory_space<vmem>>
        %dma_start3A_160 = tpu.memref_squeeze %dma_start3A_159 : memref<1x256x128xf32, #tpu.memory_space<vmem>> -> memref<256x128xf32, #tpu.memory_space<vmem>>
        %dma_start3A_161 = arith.constant 0 : i32
        %dma_start3A_162 = tpu.memref_slice %arg4[%add3A_147, %dma_start3A_161] : memref<204800x128xf32, #tpu.memory_space<hbm>> -> memref<256x128xf32, #tpu.memory_space<hbm>>
        %dma_start3A_163 = arith.constant 0 : i32
        %dma_start3A_164 = tpu.memref_slice %arg4[%add3A_147, %dma_start3A_163] : memref<204800x128xf32, #tpu.memory_space<hbm>> -> memref<256x128xf32, #tpu.memory_space<hbm>>
        %dma_start3A_165 = arith.constant 0 : i32
        %dma_start3A_166 = arith.constant 0 : i32
        %dma_start3A_167 = tpu.memref_slice %arg8[%scan3A_78, %dma_start3A_165, %dma_start3A_166] : memref<2x256x128xf32, #tpu.memory_space<vmem>> -> memref<1x256x128xf32, #tpu.memory_space<vmem>>
        %dma_start3A_168 = tpu.memref_squeeze %dma_start3A_167 : memref<1x256x128xf32, #tpu.memory_space<vmem>> -> memref<256x128xf32, #tpu.memory_space<vmem>>
        tpu.enqueue_dma source(%dma_start3A_168 : memref<256x128xf32, #tpu.memory_space<vmem>>) target(%dma_start3A_164 : memref<256x128xf32, #tpu.memory_space<hbm>>) target_semaphore(%run_scoped3A_156 : memref<!tpu.dma_semaphore, #tpu.memory_space<semaphore_mem>>)
        %dma_wait3A_169 = arith.constant 0 : i32
        %dma_wait3A_170 = arith.constant 0 : i32
        %dma_wait3A_171 = tpu.memref_slice %arg8[%scan3A_78, %dma_wait3A_169, %dma_wait3A_170] : memref<2x256x128xf32, #tpu.memory_space<vmem>> -> memref<1x256x128xf32, #tpu.memory_space<vmem>>
        %dma_wait3A_172 = tpu.memref_squeeze %dma_wait3A_171 : memref<1x256x128xf32, #tpu.memory_space<vmem>> -> memref<256x128xf32, #tpu.memory_space<vmem>>
        %dma_wait3A_173 = arith.constant 0 : i32
        %dma_wait3A_174 = tpu.memref_slice %arg4[%add3A_147, %dma_wait3A_173] : memref<204800x128xf32, #tpu.memory_space<hbm>> -> memref<256x128xf32, #tpu.memory_space<hbm>>
        %dma_wait3A_175 = arith.constant 0 : i32
        %dma_wait3A_176 = tpu.memref_slice %arg4[%add3A_147, %dma_wait3A_175] : memref<204800x128xf32, #tpu.memory_space<hbm>> -> memref<256x128xf32, #tpu.memory_space<hbm>>
        %dma_wait3A_177 = arith.constant 0 : i32
        %dma_wait3A_178 = arith.constant 0 : i32
        %dma_wait3A_179 = tpu.memref_slice %arg8[%scan3A_78, %dma_wait3A_177, %dma_wait3A_178] : memref<2x256x128xf32, #tpu.memory_space<vmem>> -> memref<1x256x128xf32, #tpu.memory_space<vmem>>
        %dma_wait3A_180 = tpu.memref_squeeze %dma_wait3A_179 : memref<1x256x128xf32, #tpu.memory_space<vmem>> -> memref<256x128xf32, #tpu.memory_space<vmem>>
        tpu.wait_dma2 semaphore(%run_scoped3A_156 : memref<!tpu.dma_semaphore, #tpu.memory_space<semaphore_mem>>) src(%dma_wait3A_180 : memref<256x128xf32, #tpu.memory_space<vmem>>) dst(%dma_wait3A_176 : memref<256x128xf32, #tpu.memory_space<hbm>>)
        tpu.yield
      }) : () -> ()
      %add3A_148 = arith.constant 2 : i32
      %add3A_149 = arith.addi %add3A_107, %add3A_148 : i32
      %lt3A_150 = arith.constant 25 : i32
      %lt3A_151 = arith.cmpi slt, %add3A_149, %lt3A_150 : i32
      %convert_element_type3A_152 = arith.extui %lt3A_151 : i1 to i32
      %cond3A_153 = arith.constant 0 : i32
      %cond3A_154 = arith.cmpi ne, %convert_element_type3A_152, %cond3A_153 : i32
      scf.if %cond3A_154 {
        %add3A_156 = arith.constant 2 : i32
        %add3A_157 = arith.addi %add3A_107, %add3A_156 : i32
        %mul3A_158 = arith.constant 2 : i32
        %mul3A_159 = arith.muli %mul3A_158, %add3A_157 : i32
        %dma_start3A_160 = arith.constant 0 : i32
        %dma_start3A_161 = arith.constant 0 : i32
        %dma_start3A_162 = tpu.memref_slice %arg8[%scan3A_78, %dma_start3A_160, %dma_start3A_161] : memref<2x256x128xf32, #tpu.memory_space<vmem>> -> memref<1x256x128xf32, #tpu.memory_space<vmem>>
        %dma_start3A_163 = tpu.memref_squeeze %dma_start3A_162 : memref<1x256x128xf32, #tpu.memory_space<vmem>> -> memref<256x128xf32, #tpu.memory_space<vmem>>
        %dma_start3A_164 = arith.constant 0 : i32
        %dma_start3A_165 = arith.constant 0 : i32
        %dma_start3A_166 = tpu.memref_slice %dma_start3A_163[%dma_start3A_164, %dma_start3A_165] : memref<256x128xf32, #tpu.memory_space<vmem>> -> memref<128x128xf32, #tpu.memory_space<vmem>>
        %dma_start3A_167 = arith.constant 0 : i32
        %dma_start3A_168 = tpu.memref_slice %arg7[%mul3A_159, %dma_start3A_167] : memref<50x128xi32, #tpu.memory_space<vmem>> -> memref<1x128xi32, #tpu.memory_space<vmem>>
        %dma_start3A_169 = tpu.memref_squeeze %dma_start3A_168 : memref<1x128xi32, #tpu.memory_space<vmem>> -> memref<128xi32, #tpu.memory_space<vmem>>
        %dma_start3A_170 = arith.constant 0 : i32
        %dma_start3A_171 = arith.constant 0 : i32
        %dma_start3A_172 = tpu.memref_slice %arg5[%dma_start3A_170, %dma_start3A_171] : memref<400x128xf32, #tpu.memory_space<vmem_shared>> -> memref<400x128xf32, #tpu.memory_space<vmem_shared>>
        tpu.enqueue_indirect_dma source(%dma_start3A_172 : memref<400x128xf32, #tpu.memory_space<vmem_shared>>) target(%dma_start3A_166 : memref<128x128xf32, #tpu.memory_space<vmem>>) offsets(%dma_start3A_169 : memref<128xi32, #tpu.memory_space<vmem>>) semaphore(%arg10 : memref<!tpu.dma_semaphore, #tpu.memory_space<semaphore_mem>>)
        %mul3A_173 = arith.constant 2 : i32
        %mul3A_174 = arith.muli %mul3A_173, %add3A_157 : i32
        %add3A_175 = arith.constant 1 : i32
        %add3A_176 = arith.addi %mul3A_174, %add3A_175 : i32
        %dma_start3A_177 = arith.constant 0 : i32
        %dma_start3A_178 = arith.constant 0 : i32
        %dma_start3A_179 = tpu.memref_slice %arg8[%scan3A_78, %dma_start3A_177, %dma_start3A_178] : memref<2x256x128xf32, #tpu.memory_space<vmem>> -> memref<1x256x128xf32, #tpu.memory_space<vmem>>
        %dma_start3A_180 = tpu.memref_squeeze %dma_start3A_179 : memref<1x256x128xf32, #tpu.memory_space<vmem>> -> memref<256x128xf32, #tpu.memory_space<vmem>>
        %dma_start3A_181 = arith.constant 128 : i32
        %dma_start3A_182 = arith.constant 0 : i32
        %dma_start3A_183 = tpu.memref_slice %dma_start3A_180[%dma_start3A_181, %dma_start3A_182] : memref<256x128xf32, #tpu.memory_space<vmem>> -> memref<128x128xf32, #tpu.memory_space<vmem>>
        %dma_start3A_184 = arith.constant 0 : i32
        %dma_start3A_185 = tpu.memref_slice %arg7[%add3A_176, %dma_start3A_184] : memref<50x128xi32, #tpu.memory_space<vmem>> -> memref<1x128xi32, #tpu.memory_space<vmem>>
        %dma_start3A_186 = tpu.memref_squeeze %dma_start3A_185 : memref<1x128xi32, #tpu.memory_space<vmem>> -> memref<128xi32, #tpu.memory_space<vmem>>
        %dma_start3A_187 = arith.constant 0 : i32
        %dma_start3A_188 = arith.constant 0 : i32
        %dma_start3A_189 = tpu.memref_slice %arg5[%dma_start3A_187, %dma_start3A_188] : memref<400x128xf32, #tpu.memory_space<vmem_shared>> -> memref<400x128xf32, #tpu.memory_space<vmem_shared>>
        tpu.enqueue_indirect_dma source(%dma_start3A_189 : memref<400x128xf32, #tpu.memory_space<vmem_shared>>) target(%dma_start3A_183 : memref<128x128xf32, #tpu.memory_space<vmem>>) offsets(%dma_start3A_186 : memref<128xi32, #tpu.memory_space<vmem>>) semaphore(%arg10 : memref<!tpu.dma_semaphore, #tpu.memory_space<semaphore_mem>>)
      } else {
      }
      %scan3A_155 = arith.constant 0 : i32
      scf.yield %scan3A_155 : i32
    }
    %scan3A_85 = arith.constant 12 : i32
    %dma_wait3A = arith.constant 0 : i32
    %dma_wait3A_86 = arith.constant 0 : i32
    %dma_wait3A_87 = arith.constant 0 : i32
    %dma_wait3A_88 = tpu.memref_slice %arg8[%dma_wait3A, %dma_wait3A_86, %dma_wait3A_87] : memref<2x256x128xf32, #tpu.memory_space<vmem>> -> memref<1x256x128xf32, #tpu.memory_space<vmem>>
    %dma_wait3A_89 = tpu.memref_squeeze %dma_wait3A_88 : memref<1x256x128xf32, #tpu.memory_space<vmem>> -> memref<256x128xf32, #tpu.memory_space<vmem>>
    %dma_wait3A_90 = arith.constant 0 : i32
    %dma_wait3A_91 = arith.constant 0 : i32
    %dma_wait3A_92 = tpu.memref_slice %arg4[%dma_wait3A_90, %dma_wait3A_91] : memref<204800x128xf32, #tpu.memory_space<hbm>> -> memref<256x128xf32, #tpu.memory_space<hbm>>
    %dma_wait3A_93 = arith.constant 0 : i32
    %dma_wait3A_94 = arith.constant 0 : i32
    %dma_wait3A_95 = tpu.memref_slice %arg8[%dma_wait3A, %dma_wait3A_93, %dma_wait3A_94] : memref<2x256x128xf32, #tpu.memory_space<vmem>> -> memref<1x256x128xf32, #tpu.memory_space<vmem>>
    %dma_wait3A_96 = tpu.memref_squeeze %dma_wait3A_95 : memref<1x256x128xf32, #tpu.memory_space<vmem>> -> memref<256x128xf32, #tpu.memory_space<vmem>>
    %dma_wait3A_97 = arith.constant 0 : i32
    %dma_wait3A_98 = arith.constant 0 : i32
    %dma_wait3A_99 = tpu.memref_slice %arg4[%dma_wait3A_97, %dma_wait3A_98] : memref<204800x128xf32, #tpu.memory_space<hbm>> -> memref<256x128xf32, #tpu.memory_space<hbm>>
    tpu.wait_dma2 semaphore(%arg9 : memref<!tpu.dma_semaphore, #tpu.memory_space<semaphore_mem>>) src(%dma_wait3A_99 : memref<256x128xf32, #tpu.memory_space<hbm>>) dst(%dma_wait3A_96 : memref<256x128xf32, #tpu.memory_space<vmem>>)
    %add3A_100 = arith.constant 6144 : i32
    %add3A_101 = arith.addi %mul3A_2, %add3A_100 : i32
    %run_scoped3A = arith.constant 0 : i32
    "tpu.region"() ({
      %run_scoped3A_102 = tpu.sem_alloc : memref<!tpu.dma_semaphore, #tpu.memory_space<semaphore_mem>>
      %dma_start3A_103 = arith.constant 0 : i32
      %dma_start3A_104 = arith.constant 0 : i32
      %dma_start3A_105 = tpu.memref_slice %arg8[%run_scoped3A, %dma_start3A_103, %dma_start3A_104] : memref<2x256x128xf32, #tpu.memory_space<vmem>> -> memref<1x256x128xf32, #tpu.memory_space<vmem>>
      %dma_start3A_106 = tpu.memref_squeeze %dma_start3A_105 : memref<1x256x128xf32, #tpu.memory_space<vmem>> -> memref<256x128xf32, #tpu.memory_space<vmem>>
      %dma_start3A_107 = arith.constant 0 : i32
      %dma_start3A_108 = tpu.memref_slice %arg4[%add3A_101, %dma_start3A_107] : memref<204800x128xf32, #tpu.memory_space<hbm>> -> memref<256x128xf32, #tpu.memory_space<hbm>>
      %dma_start3A_109 = arith.constant 0 : i32
      %dma_start3A_110 = tpu.memref_slice %arg4[%add3A_101, %dma_start3A_109] : memref<204800x128xf32, #tpu.memory_space<hbm>> -> memref<256x128xf32, #tpu.memory_space<hbm>>
      %dma_start3A_111 = arith.constant 0 : i32
      %dma_start3A_112 = arith.constant 0 : i32
      %dma_start3A_113 = tpu.memref_slice %arg8[%run_scoped3A, %dma_start3A_111, %dma_start3A_112] : memref<2x256x128xf32, #tpu.memory_space<vmem>> -> memref<1x256x128xf32, #tpu.memory_space<vmem>>
      %dma_start3A_114 = tpu.memref_squeeze %dma_start3A_113 : memref<1x256x128xf32, #tpu.memory_space<vmem>> -> memref<256x128xf32, #tpu.memory_space<vmem>>
      tpu.enqueue_dma source(%dma_start3A_114 : memref<256x128xf32, #tpu.memory_space<vmem>>) target(%dma_start3A_110 : memref<256x128xf32, #tpu.memory_space<hbm>>) target_semaphore(%run_scoped3A_102 : memref<!tpu.dma_semaphore, #tpu.memory_space<semaphore_mem>>)
      %dma_wait3A_115 = arith.constant 0 : i32
      %dma_wait3A_116 = arith.constant 0 : i32
      %dma_wait3A_117 = tpu.memref_slice %arg8[%run_scoped3A, %dma_wait3A_115, %dma_wait3A_116] : memref<2x256x128xf32, #tpu.memory_space<vmem>> -> memref<1x256x128xf32, #tpu.memory_space<vmem>>
      %dma_wait3A_118 = tpu.memref_squeeze %dma_wait3A_117 : memref<1x256x128xf32, #tpu.memory_space<vmem>> -> memref<256x128xf32, #tpu.memory_space<vmem>>
      %dma_wait3A_119 = arith.constant 0 : i32
      %dma_wait3A_120 = tpu.memref_slice %arg4[%add3A_101, %dma_wait3A_119] : memref<204800x128xf32, #tpu.memory_space<hbm>> -> memref<256x128xf32, #tpu.memory_space<hbm>>
      %dma_wait3A_121 = arith.constant 0 : i32
      %dma_wait3A_122 = tpu.memref_slice %arg4[%add3A_101, %dma_wait3A_121] : memref<204800x128xf32, #tpu.memory_space<hbm>> -> memref<256x128xf32, #tpu.memory_space<hbm>>
      %dma_wait3A_123 = arith.constant 0 : i32
      %dma_wait3A_124 = arith.constant 0 : i32
      %dma_wait3A_125 = tpu.memref_slice %arg8[%run_scoped3A, %dma_wait3A_123, %dma_wait3A_124] : memref<2x256x128xf32, #tpu.memory_space<vmem>> -> memref<1x256x128xf32, #tpu.memory_space<vmem>>
      %dma_wait3A_126 = tpu.memref_squeeze %dma_wait3A_125 : memref<1x256x128xf32, #tpu.memory_space<vmem>> -> memref<256x128xf32, #tpu.memory_space<vmem>>
      tpu.wait_dma2 semaphore(%run_scoped3A_102 : memref<!tpu.dma_semaphore, #tpu.memory_space<semaphore_mem>>) src(%dma_wait3A_126 : memref<256x128xf32, #tpu.memory_space<vmem>>) dst(%dma_wait3A_122 : memref<256x128xf32, #tpu.memory_space<hbm>>)
      tpu.yield
    }) : () -> ()
    return
  }
}

module attributes {stable_mosaic.version = 14 : i64} {
  func.func @_comb_body(%arg0: memref<200x128xf32, #tpu.memory_space<vmem>>, %arg1: memref<2x128xf32, #tpu.memory_space<vmem>>, %arg2: memref<2x200x128xf32, #tpu.memory_space<vmem>>) attributes {dimension_semantics = [], scalar_prefetch = 0 : i64, scratch_operands = 0 : i64, tpu.core_type = #tpu.core_type<tc>} {
    %get3A = arith.constant 0 : index
    %get3A_0 = arith.constant 0 : index
    %get3A_1 = vector.load %arg0[%get3A, %get3A_0] : memref<200x128xf32, #tpu.memory_space<vmem>>, vector<200x128xf32>
    %get3A_2 = arith.constant 0 : index
    %get3A_3 = arith.constant 0 : index
    %get3A_4 = vector.load %arg1[%get3A_2, %get3A_3] : memref<2x128xf32, #tpu.memory_space<vmem>>, vector<1x128xf32>
    %get3A_5 = vector.shape_cast %get3A_4 : vector<1x128xf32> to vector<128xf32>
    %broadcast_in_dim3A = vector.shape_cast %get3A_5 : vector<128xf32> to vector<1x128xf32>
    %add3A = vector.broadcast %broadcast_in_dim3A : vector<1x128xf32> to vector<200x128xf32>
    %add3A_6 = arith.addf %get3A_1, %add3A : vector<200x128xf32>
    %swap3A = arith.constant 0 : index
    %swap3A_7 = arith.constant 0 : index
    %swap3A_8 = arith.constant 0 : index
    %swap3A_9 = vector.load %arg2[%swap3A, %swap3A_7, %swap3A_8] : memref<2x200x128xf32, #tpu.memory_space<vmem>>, vector<1x200x128xf32>
    %swap3A_10 = vector.shape_cast %swap3A_9 : vector<1x200x128xf32> to vector<200x128xf32>
    %swap3A_11 = vector.shape_cast %add3A_6 : vector<200x128xf32> to vector<1x200x128xf32>
    tpu.vector_store %arg2[%swap3A, %swap3A_7, %swap3A_8], %swap3A_11 {strides = array<i32>} : memref<2x200x128xf32, #tpu.memory_space<vmem>>, vector<1x200x128xf32>,
    %get3A_12 = arith.constant 0 : index
    %get3A_13 = arith.constant 0 : index
    %get3A_14 = vector.load %arg0[%get3A_12, %get3A_13] : memref<200x128xf32, #tpu.memory_space<vmem>>, vector<200x128xf32>
    %get3A_15 = arith.constant 1 : index
    %get3A_16 = arith.constant 0 : index
    %get3A_17 = vector.load %arg1[%get3A_15, %get3A_16] : memref<2x128xf32, #tpu.memory_space<vmem>>, vector<1x128xf32>
    %get3A_18 = vector.shape_cast %get3A_17 : vector<1x128xf32> to vector<128xf32>
    %broadcast_in_dim3A_19 = vector.shape_cast %get3A_18 : vector<128xf32> to vector<1x128xf32>
    %add3A_20 = vector.broadcast %broadcast_in_dim3A_19 : vector<1x128xf32> to vector<200x128xf32>
    %add3A_21 = arith.addf %get3A_14, %add3A_20 : vector<200x128xf32>
    %swap3A_22 = arith.constant 1 : index
    %swap3A_23 = arith.constant 0 : index
    %swap3A_24 = arith.constant 0 : index
    %swap3A_25 = vector.load %arg2[%swap3A_22, %swap3A_23, %swap3A_24] : memref<2x200x128xf32, #tpu.memory_space<vmem>>, vector<1x200x128xf32>
    %swap3A_26 = vector.shape_cast %swap3A_25 : vector<1x200x128xf32> to vector<200x128xf32>
    %swap3A_27 = vector.shape_cast %add3A_21 : vector<200x128xf32> to vector<1x200x128xf32>
    tpu.vector_store %arg2[%swap3A_22, %swap3A_23, %swap3A_24], %swap3A_27 {strides = array<i32>} : memref<2x200x128xf32, #tpu.memory_space<vmem>>, vector<1x200x128xf32>,
    return
  }
}

</mosaic_0001>

<sc_bundles>
// kernel: kernel.4.cloned.1.call-start
scs
__scs_entry_jumppad:
0x0: {  	(pc) =	sbr.rel $0x88, $3  }
0x1: {  	(tag) =	ssettag $0x0;
	lr =	simm.s32 $0x1  }
0x2: {  	[smem:$0x3F9E] =	sst lr;
	_ =	strace $0xD0000000  }
0x3: {  	_ = 	snop  }
0x4: {  	_ = 	snop  }
0x5: {  	_ = 	snop  }
0x6: {  	_ = 	snop  }
0x7: {  	_ = 	snop  }
__scs_overlays_trampoline_lowered:
0x8: {  	[smem:$0x3FAD] =	sst s0  }
0x9: {  	[smem:$0x3FAE] =	sst s1  }
0xa: {  	[smem:$0x3FAF] =	sst s2  }
0xb: {  	[smem:$0x3FB0] =	sst s3  }
0xc: {  	[smem:$0x3FB1] =	sst s4  }
0xd: {  	[smem:$0x3FB2] =	sst s5  }
0xe: {  	[smem:$0x3FB3] =	sst s6  }
0xf: {  	[smem:$0x3FB4] =	sst s7  }
0x10: {  	[smem:$0x3FB5] =	sst s8  }
0x11: {  	[smem:$0x3FB6] =	sst s9;
	s0 =	simm.s32 @!p0 $0x0  }
0x12: {  	s1 =	sld [smem:$0x3F9C];
	s0 =	simm.s32 @p0 $0x1  }
0x13: {  	[smem:$0x3FB7] =	sst s0;
	s0 =	simm.s32 @!p1 $0x0  }
0x14: {  	s2 =	sld [smem:$0x3F9B];
	s0 =	simm.s32 @p1 $0x1  }
0x15: {  	[smem:$0x3FB8] =	sst s0;
	s0 =	simm.s32 @!p2 $0x0  }
0x16: {  	s3 =	sld [smem:$0x3FDB];
	s0 =	simm.s32 @p2 $0x1  }
0x17: {  	s4 =	simm.s32 $0x1BF5;
	[smem:$0x3FBA] =	sst s0  }
0x18: {  	s0 =	sld [smem:$0x3F9D];
	_ =	swait.ge [sflag:s4], $0x0  }
0x19: {  	s7 =	sld [smem:$0x3F9E]  }
0x1a: {  	s8 =	sadd.s32 $0xFFFFE003, lr  }
0x1b: {  	s9 =	sadd.s32 $0xFFFFFEF7, lr;
	s5 =	simm.s32 $0xFFFFFFFF;
	p2 =	slt.u32 s8, $0xFFFFF086  }
0x1c: {  	p1 =	slt.u32 s9, $0xF7A;
	s5 =	simm.s32 @!p2 $0x0  }
0x1d: {  	s5 =	simm.s32 @p1 $0x1;
	p0 =	seq.s32 s7, s2  }
0x1e: {  	s7 =	smul.u32 @!p0 $0xF7A, s2;
	p2 =	seq.s32 @!p0 s5, $0x0  }
0x1f: {  	s9 =	smul.u32 $0xF7A, s1;
	s8 =	simm.s32 @!p0 $0x1BF5;
	p2 =	por !p2, p0  }
0x20: {  	[sflag:s8] =	ssyncset.s32 @!p0 $0xFFFFF086;
	s6 =	sadd.s32 @!p0 s3, s7;
	s7 =	simm.s32 @!p0 $0x108  }
0x21: {  	s3 =	sadd.s32 s3, s9;
	s6 =	sadd.s32 @!p0 $0x88, s6;
	s7 =	simm.s32 @p2 $0x1082  }
0x22: {  	[simem:s7], [sflag:s8] =	dma.local @!p0 [hbm:s6], $0xF7A  }
0x23: {  	s9 =	sor.u32 $0xD0000000, s2;
	s6 =	simm.s32 $0x108;
	_ =	swait.ge @!p0 [sflag:s8], $0x0  }
0x24: {  	s3 =	sadd.s32 $0x88, s3;
	s6 =	simm.s32 @!p1 $0x1082;
	[sflag:s4] =	ssyncset.s32 $0xFFFFF086  }
0x25: {  	[simem:s6], [sflag:s4] =	dma.local [hbm:s3], $0xF7A  }
0x26: {  	[smem:$0x3F9E] =	sst s1;
	(tag) =	ssettag s2;
	_ =	strace s9  }
0x27: {  	s1 =	sld [smem:$0x3FAE]  }
0x28: {  	s2 =	sld [smem:$0x3FAF]  }
0x29: {  	s4 =	sld [smem:$0x3FB1]  }
0x2a: {  	p0 =	seq.s32 s5, $0x0;
	s5 =	sld [smem:$0x3FB2]  }
0x2b: {  	s6 =	sld [smem:$0x3FB3]  }
0x2c: {  	s7 =	sld [smem:$0x3FB4]  }
0x2d: {  	s3 =	simm.s32 $0x108;
	s8 =	sld [smem:$0x3FB5]  }
0x2e: {  	s3 =	simm.s32 @!p0 $0x1082;
	s9 =	sld [smem:$0x3FB6]  }
0x2f: {  	lr =	sadd.s32 s0, s3;
	s0 =	sld [smem:$0x3FAD]  }
0x30: {  	s3 =	sld [smem:$0x3FB0]  }
0x31: {  	[smem:$0x3FB9] =	sst s10  }
0x32: {  	s10 =	sld [smem:$0x3FB7];
	_ =	sdelay $0x3  }
0x33: {  	p0 =	seq.s32 s10, $0x1;
	s10 =	sld [smem:$0x3FB9];
	_ =	sdelay $0x3  }
0x34: {  	[smem:$0x3FB9] =	sst s10  }
0x35: {  	s10 =	sld [smem:$0x3FB8];
	_ =	sdelay $0x3  }
0x36: {  	p1 =	seq.s32 s10, $0x1;
	s10 =	sld [smem:$0x3FB9];
	_ =	sdelay $0x3  }
0x37: {  	[smem:$0x3FB9] =	sst s10  }
0x38: {  	s10 =	sld [smem:$0x3FBA]  }
0x39: {  	_ = 	snop;
	(pc) =	sbr.ind lr, $3  }
0x3a: {  	_ = 	snop  }
0x3b: {  	_ = 	snop  }
0x3c: {  	p2 =	seq.s32 s10, $0x1;
	s10 =	sld [smem:$0x3FB9]  }
0x3d: {  	_ =	shalt  }
0x3e: {  	_ =	shalt  }
0x3f: {  	_ =	shalt  }
0x40: {  	_ =	shalt  }
0x41: {  	_ =	shalt  }
0x42: {  	_ =	shalt  }
0x43: {  	_ =	shalt  }
0x44: {  	_ =	shalt  }
0x45: {  	_ =	shalt  }
0x46: {  	_ =	shalt  }
0x47: {  	_ =	shalt  }
0x48: {  	_ =	shalt  }
0x49: {  	_ =	shalt  }
0x4a: {  	_ =	shalt  }
0x4b: {  	_ =	shalt  }
0x4c: {  	_ =	shalt  }
0x4d: {  	_ =	shalt  }
0x4e: {  	_ =	shalt  }
0x4f: {  	_ =	shalt  }
0x50: {  	_ =	shalt  }
0x51: {  	_ =	shalt  }
0x52: {  	_ =	shalt  }
0x53: {  	_ =	shalt  }
0x54: {  	_ =	shalt  }
0x55: {  	_ =	shalt  }
0x56: {  	_ =	shalt  }
0x57: {  	_ =	shalt  }
0x58: {  	_ =	shalt  }
0x59: {  	_ =	shalt  }
0x5a: {  	_ =	shalt  }
0x5b: {  	_ =	shalt  }
0x5c: {  	_ =	shalt  }
0x5d: {  	_ =	shalt  }
0x5e: {  	_ =	shalt  }
0x5f: {  	_ =	shalt  }
0x60: {  	_ =	shalt  }
0x61: {  	_ =	shalt  }
0x62: {  	_ =	shalt  }
0x63: {  	_ =	shalt  }
0x64: {  	_ =	shalt  }
0x65: {  	_ =	shalt  }
0x66: {  	_ =	shalt  }
0x67: {  	_ =	shalt  }
0x68: {  	_ =	shalt  }
0x69: {  	_ =	shalt  }
0x6a: {  	_ =	shalt  }
0x6b: {  	_ =	shalt  }
0x6c: {  	_ =	shalt  }
0x6d: {  	_ =	shalt  }
0x6e: {  	_ =	shalt  }
0x6f: {  	_ =	shalt  }
0x70: {  	_ =	shalt  }
0x71: {  	_ =	shalt  }
0x72: {  	_ =	shalt  }
0x73: {  	_ =	shalt  }
0x74: {  	_ =	shalt  }
0x75: {  	_ =	shalt  }
0x76: {  	_ =	shalt  }
0x77: {  	_ =	shalt  }
0x78: {  	_ =	shalt  }
0x79: {  	_ =	shalt  }
0x7a: {  	_ =	shalt  }
0x7b: {  	_ =	shalt  }
0x7c: {  	_ =	shalt  }
0x7d: {  	_ =	shalt  }
0x7e: {  	_ =	shalt  }
0x7f: {  	_ =	shalt  }
0x80: {  	_ =	shalt  }
0x81: {  	_ =	shalt  }
0x82: {  	_ =	shalt  }
0x83: {  	_ =	shalt  }
0x84: {  	_ =	shalt  }
0x85: {  	_ =	shalt  }
0x86: {  	_ =	shalt  }
0x87: {  	_ =	shalt  }
.Lfunc_end0:
.L_simem_size_0:
called_computation_lowered:
.L_overlay_start_0:
0x88: {  	s2 =	sld [smem:$0x3FD9]  }
0x89: {  	s3 =	sld [smem:$0x3FFE];
	_ =	sdelay $0x1  }
0x8a: {  	s1 =	srdreg.scid  }
0x8b: {  	s0 =	sand.u32 $0x1, s1  }
0x8c: {  	s17 =	sshll.u32 s0, $0xA;
	s2 =	sadd.s32 s3, s2  }
0x8d: {  	s2 =	sadd.s32 s2, s17  }
0x8e: {  	[smem:$0x3FC5] =	sst s2  }
0x8f: {  	_ = 	snop  }
0x90: {  	s2 =	sld [smem:$0x3FD0];
	(tm) =	ssettm $0x1  }
0x91: {  	s18 =	sld [smem:$0x3FFB];
	_ =	sdelay $0x3  }
0x92: {  	_ =	strace s18  }
0x93: {  	s3 =	sld [smem:$0x3FFC];
	_ =	sdelay $0x3  }
0x94: {  	_ =	strace s3  }
0x95: {  	s3 =	sld [smem:$0x3FFD];
	_ =	sdelay $0x3  }
0x96: {  	_ =	strace s3  }
0x97: {  	_ =	strace $0x8FFFFFFF  }
0x98: {  	s19 =	sld [smem:$0x3FDB];
	_ =	sdelay $0x1  }
0x99: {  	s4 =	simm.s32 $_scs_section_size  }
0x9a: {  	s5 =	simm.s32 $_size__tile_overlayer_lowered;
	s6 =	simm.s32 $_tile_overlayer_lowered  }
0x9b: {  	s22 =	simm.s32 $0x1BFF;
	s21 =	sshll.u32 s6, $0x1;
	s3 =	sadd.s32 s4, s19  }
0x9c: {  	s7 =	simm.s32 $0x0;
	s20 =	sshll.u32 s5, $0x1;
	s5 =	sadd.s32 s21, s3  }
0x9d: {  	[timem:s7], [sflag:s22] =	dma.local [hbm:s5], s20  }
0x9e: {  	_ =	swait.ge [sflag:s22], s20  }
0x9f: {  	s4 =	ssub.s32 $0x0, s20;
	[sflag:s22] =	ssyncset.done $0x0  }
0xa0: {  	[sflag:s22] =	ssyncadd.s32 s4;
	_ =	sdelay $0x1  }
0xa1: {  	s23 =	simm.s32 $0x1B8B  }
0xa2: {  	_ =	swait.ge [sflag:s23], $0x1  }
0xa3: {  	[sflag:s23] =	ssyncset.done $0x0  }
0xa4: {  	s25 =	simm.s32 $0x1B8E;
	s24 =	sld [smem:$0x3FFE];
	[sflag:s23] =	ssyncadd.s32 $0xFFFFFFFF  }
0xa5: {  	s26 =	simm.s32 $execute0_lowered;
	[smem:$0x3FD2] =	sst s25  }
0xa6: {  	s5 =	sshll.u32 s26, $0x1;
	_ =	strace $0x80000046;
	[dreg:$0x1] =	wrdreg $0xFFFFFFFF  }
0xa7: {  	s28 =	simm.s32 $_size_execute0_lowered;
	s3 =	sadd.s32 s3, s5;
	[dreg:$0x0] =	wrdreg $0x0  }
0xa8: {  	s5 =	sshll.u32 s28, $0x1;
	[dreg:$0x2] =	wrdreg s3  }
0xa9: {  	[dreg:$0x3] =	wrdreg s5  }
0xaa: {  	[dreg:$0x4] =	wrdreg $0xC0  }
0xab: {  	_ =	task [dreg:s7], $0x5FFFF  }
0xac: {  	[dreg:$0x1] =	wrdreg $0xFFFFFFFF  }
0xad: {  	[dreg:$0x0] =	wrdreg $0x60  }
0xae: {  	[dreg:$0x2] =	wrdreg s24  }
0xaf: {  	[dreg:$0x3] =	wrdreg s2  }
0xb0: {  	[dreg:$0x4] =	wrdreg $0x0  }
0xb1: {  	[dreg:$0x5] =	wrdreg $0x9  }
0xb2: {  	_ =	task.clear_ibuf [dreg:s7], $0x6FFFF;
	_ =	strace $0x90000046  }
0xb3: {  	s29 =	simm.s32 $0x9;
	_ =	strace $0x80000048  }
0xb4: {  	_ =	swait.ge [sflag:s29], $0x1  }
0xb5: {  	[sflag:s29] =	ssyncadd.s32 $0xFFFFFFFF  }
0xb6: {  	_ =	strace $0x90000048  }
0xb7: {  	_ =	sfence  }
0xb8: {  	s30 =	sld [smem:$0x0];
	_ =	sdelay $0x2  }
0xb9: {  	s31 =	sshll.u32 s1, $0xD;
	s1 =	sshrl.u32 s1, $0x2  }
0xba: {  	s3 =	sand.u32 $0x4000, s31;
	s1 =	sadd.s32 s1, s30  }
0xbb: {  	s0 =	sor.u32 s3, s0;
	s1 =	sshll.u32 s1, $0x11  }
0xbc: {  	s0 =	sor.u32 s1, s0  }
0xbd: {  	s0 =	sadd.s32 $0x8F2B, s0  }
0xbe: {  	[sflag:s0] =	ssyncadd.remote.s32 $0x1  }
0xbf: {  	_ =	sfence.sel $0xFFFF  }
0xc0: {  	[dreg:$0x0] =	wrdreg $0xFFFFFFFF;
	(pc) =	sbr.abs _section_cstart, $3  }
0xc1: {  	[dreg:$0x1] =	wrdreg $0xFFFFFFFF  }
0xc2: {  	_ =	task.clear_ibuf [dreg:s7], $0x2FFFF;
	_ =	strace $0x9FFFFFFF  }
0xc3: {  	(tm) =	ssettm $0x7FFFFFFF  }
tec
execute0_lowered:
.L_overlay_start_1:
0x0: {  	(tag) =	ssettag $0x1  }
0x1: {  	s0 =	rddreg [dreg:$0x0]  }
0x2: {  	s9 =	rddreg [dreg:$0x1];
	s11 =	stileid.u32  }
0x3: {  	s2 =	srdreg.scid;
	s12 =	smul.u32 $0x3200, s11  }
0x4: {  	s1 =	rddreg [dreg:$0x2];
	s14 =	smul.u32 $0x32000, s11  }
0x5: {  	s17 =	simm.s32 $0x4180;
	s10 =	sand.u32 $0x1, s2;
	s15 =	smul.u32 $0x190000, s11  }
0x6: {  	s19 =	simm.s32 $0x8180;
	s28 =	simm.s32 $0x3E00;
	s13 =	smul.u32 $0x1900, s10  }
0x7: {  	s29 =	simm.s32 $0x0;
	s3 =	sshll.u32 s11, $0x1;
	s16 =	smul.u32 $0xC8000, s10  }
0x8: {  	s2 =	simm.s32 $0x0;
	s4 =	sor.u32 s10, s3;
	s25 =	smul.u32 $0x19000, s10  }
0x9: {  	p0 =	sne.s32 s11, $0x0;
	[smem:$0x7FF] =	sst s2;
	s5 =	smul.u32 $0x1900, s4  }
0xa: {  	s3 =	sadd.s32 $0x6E00, s0;
	s7 =	ssub.s32 $0x2, s10;
	s6 =	smul.u32 $0xC8000, s4  }
0xb: {  	_ =	strace $0x80000047;
	s8 =	smul.u32 $0x19000, s4;
	s21 =	sshrl.u32 s7, $0x1  }
0xc: {  	s26 =	sadd.s32 s14, s9;
	s14 =	simm.s32 $0x3;
	s7 =	ssub.s32 s7, s21  }
0xd: {  	s30 =	sadd.s32 s16, s15;
	s15 =	simm.s32 $0x80;
	s21 =	simm.s32 $0xC180  }
0xe: {  	s5 =	sshrl.u32 s5, $0x3;
	s22 =	sshrl.u32 s6, $0x3;
	s6 =	smax.u32 s7, $0x1  }
0xf: {  	s24 =	sadd.s32 s8, s9;
	s31 =	sshrl.u32 s30, $0x3;
	s0 =	sadd.s32 s5, s0  }
0x10: {  	s23 =	sadd.s32 s9, s22;
	s8 =	sadd.s32 $0x17000, s24;
	s22 =	sadd.s32 s13, s12  }
0x11: {  	s12 =	sadd.s32 s31, s9;
	s13 =	sshrl.u32 @!p0 s1, $0x3;
	s24 =	simm.s32 $0x1  }
0x12: {  	s4 =	sadd.s32 $0xA00, s0;
	s5 =	sadd.s32 $0x18000, s23;
	s7 =	sadd.s32 $0x16000, s23  }
0x13: {  	s10 =	sadd.s32 $0x200, s22;
	s0 =	sadd.s32 s25, s26;
	s23 =	simm.s32 $0x10180  }
0x14: {  	v0 =	vlaneseq.u32;
	s25 =	simm.s32 $0x2;
	s26 =	simm.s32 $0x3D80;
	s11 =	sadd.s32 $0x1000, s0  }
.LBB2_1:
0x15: {  	s0 =	simm.s32 @!p0 $0x1C03  }
0x16: {  	[spmem:s13], [sflag:s0] =	dma.local @!p0 [hbm:s3], $0x1900  }
0x17: {  	s0 =	simm.s32 @!p0 $0x3  }
0x18: {  	_ =	swait.ge @!p0 [sflag:s0], $0x1900  }
0x19: {  	[sflag:s0] =	ssyncset.done @!p0 $0x0  }
0x1a: {  	s30 =	simm.s32 $0xC80;
	[sflag:s0] =	ssyncadd.s32 @!p0 $0xFFFFE700  }
0x1b: {  	[tilespmem:s30], [sflag:$0x3] =	stream.linear.gather [hbm4b:s4+s2], $0x1900, $0x38;
	[tilespmem:$0x14180] =	vst v63  }
0x1c: {  	_ =	swait.ge [sflag:s14], $0x1900  }
0x1d: {  	s31 =	simm.s32 $0x2580;
	[sflag:s14] =	ssyncset.done $0x0  }
0x1e: {  	s16 =	simm.s32 $0x0;
	s0 =	smov.u32 s22;
	[sflag:s14] =	ssyncadd.s32 $0xFFFFE700  }
.LBB2_2:
0x1f: {  	v2 =	vmov s30;
	_ =	sdelay $0x3  }
0x20: {  	s9 =	simm.s32 $0x0  }
0x21: {  	v4 =	vor.u32 s0, v0;
	v3 =	vld.idx.msk [tilespmem:v2+s9+$0x0 ss:$0x1], $0xffff  }
0x22: {  	v5 =	vmulhi.u32 $0x51EB851F, v4;
	_ =	sdelay $0x1  }
0x23: {  	v1 =	vmov s31;
	v5 =	vshrl.u32 v5, $0x6  }
0x24: {  	v5 =	vmul.u32 $0xC8, v5  }
0x25: {  	v3 =	vmul.u32 $0xC8, v3  }
0x26: {  	v4 =	vsub.s32 v4, v5  }
0x27: {  	v3 =	vadd.s32 v4, v3  }
0x28: {  	s18 =	simm.s32 $0x10;
	s20 =	simm.s32 $0x80;
	[tilespmem:v1+s9+$0x0 ss:$0x1] =	vst.idx.msk $0xffff, v3;
	s9 =	smov.u32 s0  }
.LBB2_3:
0x29: {  	p1 =	sne.s32 s20, $0x1C0;
	v3 =	vld.idx.msk [tilespmem:v2+s18+$0x0 ss:$0x1], $0xffff;
	s9 =	sadd.s32 $0x10, s9  }
0x2a: {  	v4 =	vor.u32 s9, v0  }
0x2b: {  	v5 =	vmulhi.u32 $0x51EB851F, v4;
	_ =	sdelay $0x1  }
0x2c: {  	v5 =	vshrl.u32 v5, $0x6  }
.Ltmp0:
0x2d: {  	v5 =	vmul.u32 $0xC8, v5;
	(pc) =	sbr.rel @p1 .LBB2_3-.Ltmp0, $4  }
0x2e: {  	v3 =	vmul.u32 $0xC8, v3  }
0x2f: {  	v4 =	vsub.s32 v4, v5  }
0x30: {  	v3 =	vadd.s32 v4, v3  }
0x31: {  	[tilespmem:v1+s18+$0x0 ss:$0x1] =	vst.idx.msk $0xffff, v3;
	s18 =	sshra.s32 s20, $0x2;
	s20 =	sadd.s32 $0x40, s20  }
0x32: {  	_ =	sdelay $0x2  }
0x33: {  	s9 =	sadd.s32 $0x10, s9  }
0x34: {  	v2 =	vld.idx.msk [tilespmem:v2+s18+$0x0 ss:$0x1], $0xffff;
	v3 =	vor.u32 s9, v0  }
0x35: {  	v4 =	vmulhi.u32 $0x51EB851F, v3  }
0x36: {  	s16 =	sadd.s32 $0x1, s16  }
0x37: {  	p1 =	sne.s32 s16, $0x4;
	v4 =	vshrl.u32 v4, $0x6  }
.Ltmp1:
0x38: {  	v4 =	vmul.u32 $0xC8, v4;
	(pc) =	sbr.rel @p1 .LBB2_2-.Ltmp1, $4  }
0x39: {  	v2 =	vmul.u32 $0xC8, v2  }
0x3a: {  	v3 =	vsub.s32 v3, v4  }
0x3b: {  	v2 =	vadd.s32 v3, v2  }
0x3c: {  	s0 =	sadd.s32 $0x80, s0;
	s31 =	sadd.s32 $0x80, s31;
	s30 =	sadd.s32 $0x80, s30;
	[tilespmem:v1+s18+$0x0 ss:$0x1] =	vst.idx.msk $0xffff, v2  }
0x3d: {  	[bflag:$0x0] =	sbarrier.arrive $0xFFFF;
	s0 =	simm.s32 $0x2580  }
0x3e: {  	[tilespmem:s17], [sflag:$0x1] =	stream.indirect.gather [spmem:s1], $0x80, s0, s15, $0xb8;
	[tilespmem:$0x14180] =	vst v63  }
0x3f: {  	s16 =	simm.s32 $0x2600  }
0x40: {  	[tilespmem:s19], [sflag:$0x1] =	stream.indirect.gather [spmem:s1], $0x80, s16, s15, $0xb8;
	[tilespmem:$0x14180] =	vst v63  }
0x41: {  	s18 =	simm.s32 $0x2680;
	s20 =	simm.s32 $0x2700;
	s30 =	simm.s32 $0x4  }
0x42: {  	[tilespmem:s21], [sflag:$0x2] =	stream.indirect.gather [spmem:s1], $0x80, s18, s15, $0xb8;
	[tilespmem:$0x14180] =	vst v63  }
0x43: {  	s9 =	simm.s32 $0x2780;
	s31 =	smov.u32 s10;
	s16 =	simm.s32 $0xE80  }
0x44: {  	[tilespmem:s23], [sflag:$0x2] =	stream.indirect.gather [spmem:s1], $0x80, s20, s15, $0xb8;
	[tilespmem:$0x14180] =	vst v63  }
.LBB2_6:
0x45: {  	v2 =	vmov s16;
	_ =	sdelay $0x3  }
0x46: {  	s0 =	simm.s32 $0x0  }
0x47: {  	v4 =	vor.u32 s31, v0;
	v3 =	vld.idx.msk [tilespmem:v2+s0+$0x0 ss:$0x1], $0xffff  }
0x48: {  	v5 =	vmulhi.u32 $0x51EB851F, v4;
	_ =	sdelay $0x1  }
0x49: {  	v1 =	vmov s9;
	v5 =	vshrl.u32 v5, $0x6  }
0x4a: {  	v5 =	vmul.u32 $0xC8, v5  }
0x4b: {  	v3 =	vmul.u32 $0xC8, v3  }
0x4c: {  	v4 =	vsub.s32 v4, v5  }
0x4d: {  	v3 =	vadd.s32 v4, v3  }
0x4e: {  	s18 =	simm.s32 $0x10;
	s20 =	simm.s32 $0x80;
	[tilespmem:v1+s0+$0x0 ss:$0x1] =	vst.idx.msk $0xffff, v3;
	s0 =	smov.u32 s31  }
.LBB2_7:
0x4f: {  	p1 =	sne.s32 s20, $0x1C0;
	v3 =	vld.idx.msk [tilespmem:v2+s18+$0x0 ss:$0x1], $0xffff;
	s0 =	sadd.s32 $0x10, s0  }
0x50: {  	v4 =	vor.u32 s0, v0  }
0x51: {  	v5 =	vmulhi.u32 $0x51EB851F, v4;
	_ =	sdelay $0x1  }
0x52: {  	v5 =	vshrl.u32 v5, $0x6  }
.Ltmp2:
0x53: {  	v5 =	vmul.u32 $0xC8, v5;
	(pc) =	sbr.rel @p1 .LBB2_7-.Ltmp2, $4  }
0x54: {  	v3 =	vmul.u32 $0xC8, v3  }
0x55: {  	v4 =	vsub.s32 v4, v5  }
0x56: {  	v3 =	vadd.s32 v4, v3  }
0x57: {  	[tilespmem:v1+s18+$0x0 ss:$0x1] =	vst.idx.msk $0xffff, v3;
	s18 =	sshra.s32 s20, $0x2;
	s20 =	sadd.s32 $0x40, s20  }
0x58: {  	_ =	sdelay $0x2  }
0x59: {  	s0 =	sadd.s32 $0x10, s0  }
0x5a: {  	v2 =	vld.idx.msk [tilespmem:v2+s18+$0x0 ss:$0x1], $0xffff;
	v3 =	vor.u32 s0, v0  }
0x5b: {  	v4 =	vmulhi.u32 $0x51EB851F, v3  }
0x5c: {  	s30 =	sadd.s32 $0x1, s30  }
0x5d: {  	p1 =	sne.s32 s30, $0x32;
	v4 =	vshrl.u32 v4, $0x6  }
.Ltmp3:
0x5e: {  	v4 =	vmul.u32 $0xC8, v4;
	(pc) =	sbr.rel @p1 .LBB2_6-.Ltmp3, $4  }
0x5f: {  	v2 =	vmul.u32 $0xC8, v2  }
0x60: {  	v3 =	vsub.s32 v3, v4  }
0x61: {  	v2 =	vadd.s32 v3, v2  }
0x62: {  	s31 =	sadd.s32 $0x80, s31;
	s9 =	sadd.s32 $0x80, s9;
	s16 =	sadd.s32 $0x80, s16;
	[tilespmem:v1+s18+$0x0 ss:$0x1] =	vst.idx.msk $0xffff, v2  }
0x63: {  	_ =	swait.ge [sflag:s24], $0x8000  }
0x64: {  	[sflag:s24] =	ssyncset.done $0x0  }
0x65: {  	[sflag:s24] =	ssyncadd.s32 $0xFFFF8000  }
0x66: {  	[hbm4b:s12+s2] =	stream.linear.scatter [tilespmem:s17], [sflag:$0x3], $0x8000, $0x38;
	[tilespmem:$0x14180] =	vst v63  }
0x67: {  	_ =	swait.ge [sflag:s14], $0x8000  }
0x68: {  	[sflag:s14] =	ssyncset.done $0x0  }
0x69: {  	s0 =	simm.s32 $0x2780;
	[sflag:s14] =	ssyncadd.s32 $0xFFFF8000  }
0x6a: {  	[tilespmem:s17], [sflag:$0x1] =	stream.indirect.gather [spmem:s1], $0x80, s0, s15, $0xb8;
	[tilespmem:$0x14180] =	vst v63  }
0x6b: {  	s20 =	simm.s32 $0x2800  }
0x6c: {  	[tilespmem:s19], [sflag:$0x1] =	stream.indirect.gather [spmem:s1], $0x80, s20, s15, $0xb8;
	[tilespmem:$0x14180] =	vst v63  }
0x6d: {  	_ =	swait.ge [sflag:s25], $0x8000  }
0x6e: {  	[sflag:s25] =	ssyncset.done $0x0  }
0x6f: {  	[sflag:s25] =	ssyncadd.s32 $0xFFFF8000  }
0x70: {  	[hbm4b:s11+s2] =	stream.linear.scatter [tilespmem:s21], [sflag:$0x3], $0x8000, $0x38;
	[tilespmem:$0x14180] =	vst v63  }
0x71: {  	s31 =	simm.s32 $0x2880;
	_ =	swait.ge [sflag:s14], $0x8000  }
0x72: {  	s9 =	simm.s32 $0x800;
	s16 =	sadd.s32 $0x2000, s11;
	[sflag:s14] =	ssyncset.done $0x0  }
0x73: {  	s30 =	sadd.s32 $0x2000, s12;
	s0 =	simm.s32 $0x2900;
	[sflag:s14] =	ssyncadd.s32 $0xFFFF8000  }
0x74: {  	[tilespmem:s21], [sflag:$0x2] =	stream.indirect.gather [spmem:s1], $0x80, s31, s15, $0xb8;
	[tilespmem:$0x14180] =	vst v63  }
.LBB2_10:
0x75: {  	[tilespmem:s23], [sflag:$0x2] =	stream.indirect.gather [spmem:s1], $0x80, s0, s15, $0xb8;
	[tilespmem:$0x14180] =	vst v63  }
0x76: {  	s0 =	smov.u32 s9  }
0x77: {  	p1 =	sne.s32 s9, $0x5000;
	s9 =	sadd.s32 $0x800, s9;
	_ =	swait.ge [sflag:s24], $0x8000  }
0x78: {  	[sflag:s24] =	ssyncset.done $0x0  }
0x79: {  	[sflag:s24] =	ssyncadd.s32 $0xFFFF8000  }
0x7a: {  	[hbm4b:s30+s2] =	stream.linear.scatter [tilespmem:s17], [sflag:$0x3], $0x8000, $0x38;
	[tilespmem:$0x14180] =	vst v63  }
0x7b: {  	_ =	swait.ge [sflag:s14], $0x8000  }
0x7c: {  	s0 =	sshra.s32 s0, $0x2;
	[sflag:s14] =	ssyncset.done $0x0  }
0x7d: {  	s18 =	sadd.s32 $0x2780, s0;
	[sflag:s14] =	ssyncadd.s32 $0xFFFF8000  }
0x7e: {  	[tilespmem:s17], [sflag:$0x1] =	stream.indirect.gather [spmem:s1], $0x80, s18, s15, $0xb8;
	[tilespmem:$0x14180] =	vst v63  }
0x7f: {  	s18 =	sadd.s32 $0x2800, s0  }
0x80: {  	[tilespmem:s19], [sflag:$0x1] =	stream.indirect.gather [spmem:s1], $0x80, s18, s15, $0xb8;
	[tilespmem:$0x14180] =	vst v63  }
0x81: {  	_ =	swait.ge [sflag:s25], $0x8000  }
0x82: {  	[sflag:s25] =	ssyncset.done $0x0  }
0x83: {  	[sflag:s25] =	ssyncadd.s32 $0xFFFF8000  }
0x84: {  	[hbm4b:s16+s2] =	stream.linear.scatter [tilespmem:s21], [sflag:$0x3], $0x8000, $0x38;
	[tilespmem:$0x14180] =	vst v63  }
.Ltmp4:
0x85: {  	_ =	swait.ge [sflag:s14], $0x8000;
	(pc) =	sbr.rel @p1 .LBB2_10-.Ltmp4, $4  }
0x86: {  	[sflag:s14] =	ssyncset.done $0x0  }
0x87: {  	s18 =	sadd.s32 $0x2880, s0;
	[sflag:s14] =	ssyncadd.s32 $0xFFFF8000  }
0x88: {  	[tilespmem:s21], [sflag:$0x2] =	stream.indirect.gather [spmem:s1], $0x80, s18, s15, $0xb8;
	[tilespmem:$0x14180] =	vst v63  }
0x89: {  	s30 =	sadd.s32 $0x2000, s30;
	s0 =	sadd.s32 $0x2900, s0;
	s16 =	sadd.s32 $0x2000, s16  }
0x8a: {  	[tilespmem:s23], [sflag:$0x2] =	stream.indirect.gather [spmem:s1], $0x80, s0, s15, $0xb8;
	[tilespmem:$0x14180] =	vst v63  }
0x8b: {  	_ =	swait.ge [sflag:s24], $0x8000  }
0x8c: {  	[sflag:s24] =	ssyncset.done $0x0  }
0x8d: {  	[sflag:s24] =	ssyncadd.s32 $0xFFFF8000  }
0x8e: {  	[hbm4b:s7+s2] =	stream.linear.scatter [tilespmem:s17], [sflag:$0x3], $0x8000, $0x38;
	[tilespmem:$0x14180] =	vst v63  }
0x8f: {  	_ =	swait.ge [sflag:s14], $0x8000  }
0x90: {  	[sflag:s14] =	ssyncset.done $0x0  }
0x91: {  	[sflag:s14] =	ssyncadd.s32 $0xFFFF8000  }
0x92: {  	[tilespmem:s17], [sflag:$0x1] =	stream.indirect.gather [spmem:s1], $0x80, s26, s15, $0xb8;
	[tilespmem:$0x14180] =	vst v63  }
0x93: {  	_ = 	snop  }
0x94: {  	[tilespmem:s19], [sflag:$0x1] =	stream.indirect.gather [spmem:s1], $0x80, s28, s15, $0xb8;
	[tilespmem:$0x14180] =	vst v63  }
0x95: {  	_ =	swait.ge [sflag:s25], $0x8000  }
0x96: {  	[sflag:s25] =	ssyncset.done $0x0  }
0x97: {  	[sflag:s25] =	ssyncadd.s32 $0xFFFF8000  }
0x98: {  	[hbm4b:s8+s2] =	stream.linear.scatter [tilespmem:s21], [sflag:$0x3], $0x8000, $0x38;
	[tilespmem:$0x14180] =	vst v63  }
0x99: {  	_ =	swait.ge [sflag:s14], $0x8000  }
0x9a: {  	[sflag:s14] =	ssyncset.done $0x0  }
0x9b: {  	[sflag:s14] =	ssyncadd.s32 $0xFFFF8000  }
0x9c: {  	s29 =	sadd.s32 $0x1, s29;
	_ =	swait.ge [sflag:s24], $0x8000  }
0x9d: {  	p1 =	sne.s32 s29, s6;
	[sflag:s24] =	ssyncset.done $0x0  }
.Ltmp5:
0x9e: {  	[sflag:s24] =	ssyncadd.s32 $0xFFFF8000;
	(pc) =	sbr.rel @p1 .LBB2_1-.Ltmp5, $4  }
0x9f: {  	[hbm4b:s5+s2] =	stream.linear.scatter [tilespmem:s17], [sflag:$0x3], $0x8000, $0x38;
	[tilespmem:$0x14180] =	vst v63  }
0xa0: {  	_ =	swait.ge [sflag:s14], $0x8000  }
0xa1: {  	[sflag:s14] =	ssyncset.done $0x0  }
0xa2: {  	[sflag:s14] =	ssyncadd.s32 $0xFFFF8000  }
0xa3: {  	_ =	sfence.sel $0x180000  }
0xa4: {  	[bflag:$0x0] =	sbarrier.arrive $0xFFFF  }
0xa5: {  	_ =	strace $0x90000047  }
0xa6: {  	[bflag:$0x2] =	sbarrier.arrive $0xFFFF  }
0xa7: {  	s0 =	rddreg [dreg:$0x3]  }
0xa8: {  	s0 =	sadd.s32 @!p0 $0x100000, s0  }
0xa9: {  	[sflag:s0] =	ssyncadd.tile.s32 @!p0 $0x1;
	_ =	shalt  }
.Lfunc_end2:
_tile_overlayer_lowered:
.L_overlay_start_2:
0xaa: {  	(tag) =	ssettag $0x2  }
0xab: {  	s0 =	rddreg [dreg:$0x0];
	s2 =	stileid.u32  }
0xac: {  	s1 =	rddreg [dreg:$0x1];
	p0 =	sne.s32 s2, $0x0  }
0xad: {  	s3 =	rddreg [dreg:$0x2];
	[bflag:$0x3] =	sbarrier.arrive $0xFFFF;
	s2 =	simm.s32 @!p0 $0x1C03  }
0xae: {  	[timem:s3], [sflag:s2] =	dma.local @!p0 [hbm:s0], s1  }
0xaf: {  	s0 =	simm.s32 @!p0 $0x3  }
0xb0: {  	_ =	swait.ge @!p0 [sflag:s0], s1  }
0xb1: {  	s1 =	ssub.s32 @!p0 $0x0, s1;
	[sflag:s0] =	ssyncset.done @!p0 $0x0  }
0xb2: {  	[sflag:s0] =	ssyncadd.s32 @!p0 s1  }
0xb3: {  	[bflag:$0x3] =	sbarrier.arrive $0xFFFF  }
0xb4: {  	_ =	shalt  }

</sc_bundles>
